<compile_context>
chip_gen: v7x
topology: tpu7x:2x2x1
jax: 0.10.2.dev20260603
libtpu: 0.0.44.dev20260713+nightly
codegen_flags: <defaults>
</compile_context>

<pallas_src>
import functools

import numpy as np
import jax
import jax.numpy as jnp
from jax import lax
from jax.experimental import pallas as pl
from jax.experimental.pallas import tpu as pltpu
from jax.experimental.pallas import tpu_sc as plsc

_NC, _NS, _L = 2, 16, 16
_NW = _NC * _NS

_SHAPE = (2, 4096, 4096)
_N = _SHAPE[0] * _SHAPE[1] * _SHAPE[2]
_COLS = 4096
_ROWS = _N // _COLS
_PER_W = _N // _NW
_CHUNK = 16384
_N_CHUNKS = _PER_W // _CHUNK
_VEC_PER_CHUNK = _CHUNK // 32

_TAB_N = 65536
_IDX_BIAS = 0x1000 - 0x38000000


def _ref_bits_table():
  with np.errstate(over="ignore", invalid="ignore"):
    codes = np.arange(_TAB_N, dtype=np.uint16)
    xh = codes.view(np.float16)
    iota = np.arange(_TAB_N, dtype=np.float64).astype(np.float16)
    grid = (np.float16(-2.5) + iota * np.float16(0.0)).astype(np.float16)
    grid[-1] = np.float16(2.5)
    g64 = grid.astype(np.float64)
    lut = np.float16(1.0) / (np.float16(1.0) + np.exp(-np.float16(4.0) * grid,
                                                     dtype=np.float16))
    lut = (lut * grid).astype(np.float16)
    m_low = xh < np.float16(-2.5)
    m_high = xh > np.float16(2.5)
    m_mid = ~(m_low | m_high)
    prod = np.floor((xh - np.float16(-2.5)) * np.float16(65535.0 / 5.0))
    safe = np.where(np.isfinite(prod), prod, np.float16(0.0))
    idx = np.clip(safe.astype(np.float64), 0, _TAB_N - 1).astype(np.int64)
    y = np.where(m_mid, lut[idx], xh)
    y = np.where(m_low, np.float16(0.0), y).astype(np.float16)
    bits = y.view(np.uint16).astype(np.int32)
    bits[_TAB_N - 1] = bits[0]
  return bits


_TAB_BITS = _ref_bits_table()


def _wsilu_body(x_hbm, tab_hbm, out_hbm, tab_v, in0, in1, out0, out1,
                sem_i0, sem_i1, sem_o0, sem_o1):
  wid = lax.axis_index("s") * _NC + lax.axis_index("c")
  base = wid * _PER_W
  obase = wid * (_PER_W // 2)
  ins = (in0, in1)
  outs = (out0, out1)
  sem_is = (sem_i0, sem_i1)
  sem_os = (sem_o0, sem_o1)

  def in_slice(g):
    return x_hbm.at[pl.ds(base + g * _CHUNK, _CHUNK)]

  def out_slice(g):
    return out_hbm.at[pl.ds(pl.multiple_of(obase + g * (_CHUNK // 2), 8),
                            _CHUNK // 2)]

  pltpu.sync_copy(tab_hbm, tab_v)

  evens = lax.iota(jnp.int32, 16) * 2
  odds = evens + 1

  def compute(in_v, out_v):
    @plsc.parallel_loop(0, _VEC_PER_CHUNK, unroll=8)
    def _vec(i):
      def one(idx):
        v = plsc.load_gather(in_v, [idx])
        b = plsc.bitcast(v, jnp.uint32)
        k_u = jnp.minimum((b + jnp.uint32(_IDX_BIAS & 0xFFFFFFFF)) >> 13,
                          jnp.uint32(_TAB_N - 1))
        k = plsc.bitcast(k_u, jnp.int32)
        y = plsc.load_gather(tab_v, [k])
        return jnp.where(v > 2.5, k, y)

      lo = one(evens + i * 32)
      hi = one(odds + i * 32)
      out_v[pl.ds(i * 16, 16)] = lo | (hi << 16)

  pltpu.async_copy(in_slice(0), in0, sem_i0)
  pltpu.async_copy(in_slice(1), in1, sem_i1)

  @pl.loop(0, _N_CHUNKS // 2)
  def _pair(g2):
    for p in (0, 1):
      g = g2 * 2 + p
      in_v, out_v = ins[p], outs[p]
      pltpu.make_async_copy(in_slice(g), in_v, sem_is[p]).wait()

      @pl.when(g2 > 0)
      def _():
        pltpu.make_async_copy(out_v, out_slice(g), sem_os[p]).wait()

      compute(in_v, out_v)
      pltpu.async_copy(out_v, out_slice(g), sem_os[p])

      @pl.when(g + 2 < _N_CHUNKS)
      def _():
        pltpu.async_copy(in_slice(g + 2), in_v, sem_is[p])

  for p in (0, 1):
    g = _N_CHUNKS - 2 + p
    pltpu.make_async_copy(outs[p], out_slice(g), sem_os[p]).wait()


@functools.cache
def _make_wsilu():
  return pl.kernel(
      _wsilu_body,
      out_type=jax.ShapeDtypeStruct((_N // 2,), jnp.int32),
      mesh=plsc.VectorSubcoreMesh(core_axis_name="c", subcore_axis_name="s",
                                  num_cores=_NC, num_subcores=_NS),
      compiler_params=pltpu.CompilerParams(needs_layout_passes=False),
      scratch_types=[
          pltpu.VMEM((_TAB_N,), jnp.int32),
          pltpu.VMEM((_CHUNK,), jnp.float32),
          pltpu.VMEM((_CHUNK,), jnp.float32),
          pltpu.VMEM((_CHUNK // 2,), jnp.int32),
          pltpu.VMEM((_CHUNK // 2,), jnp.int32),
          pltpu.SemaphoreType.DMA,
          pltpu.SemaphoreType.DMA,
          pltpu.SemaphoreType.DMA,
          pltpu.SemaphoreType.DMA,
      ],
  )


def kernel(x):
  tab = jnp.asarray(_TAB_BITS)
  yw = _make_wsilu()(x.reshape(_N), tab)
  return lax.bitcast_convert_type(yw, jnp.float16).reshape(_SHAPE)

# --- scband reference (transcript-rebuilt; emitter-appended) ---
"""Pipeline reference for scband-wsi-lu-6158983103030 (READ-ONLY COPY).

The authoritative reference and input builder live on the scoring server;
editing this copy changes nothing except your own understanding.
"""

import jax, jax.numpy as jnp
import numpy as np


def _make_lut():
    xmin = jnp.float16(-2.5)
    xmax = jnp.float16(2.5)
    grid = jnp.linspace(xmin, xmax, num=65536, dtype=jnp.float16)
    vals = jax.nn.sigmoid(jnp.float16(4.0) * grid) * grid
    return vals.astype(jnp.float16)


def setup_inputs(seed: int = 0) -> dict:
    key = jax.random.key(seed)
    x = jax.random.normal(key, (2, 4096, 4096), dtype=jnp.float32)
    return {"x": x}


def reference(x):
    # WSiLU: fp16 LUT-based SiLU-like activation with 2^16 entries over [-2.5, 2.5]
    lut = _make_lut()
    XMIN = jnp.float16(-2.5)
    XMAX = jnp.float16(2.5)
    SCALE = jnp.float16(65535.0 / 5.0)
    ZERO = jnp.float16(0.0)

    xh = x.astype(jnp.float16)
    m_low = xh < XMIN
    m_high = xh > XMAX
    m_mid = ~(m_low | m_high)
    idx_f16 = jnp.floor((xh - XMIN) * SCALE)
    idx = jnp.clip(idx_f16.astype(jnp.int32), 0, lut.shape[0] - 1)
    y_lut = jnp.take(lut, idx, axis=0)
    y = xh
    y = jnp.where(m_mid, y_lut, y)
    y = jnp.where(m_low, ZERO, y)
    return y  # return_fp16=True -> keep fp16

if __name__ == "__main__":
    import jax
    _d = setup_inputs()
    print(jax.jit(kernel)(*tuple(_d.values())))

</pallas_src>

<mosaic_0001>
#map = affine_map<(d0, d1) -> (0)>
module attributes {stable_mosaic.version = 14 : i64} {
  func.func @_wsilu_body(%arg0: i32, %arg1: i32, %arg2: memref<33554432xf32, #tpu.memory_space<hbm>>, %arg3: memref<65536xi32, #tpu.memory_space<hbm>>, %arg4: memref<16777216xi32, #tpu.memory_space<hbm>>, %arg5: memref<65536xi32, #tpu.memory_space<vmem>>, %arg6: memref<16384xf32, #tpu.memory_space<vmem>>, %arg7: memref<16384xf32, #tpu.memory_space<vmem>>, %arg8: memref<8192xi32, #tpu.memory_space<vmem>>, %arg9: memref<8192xi32, #tpu.memory_space<vmem>>, %arg10: memref<!tpu.dma_semaphore, #tpu.memory_space<semaphore_mem>>, %arg11: memref<!tpu.dma_semaphore, #tpu.memory_space<semaphore_mem>>, %arg12: memref<!tpu.dma_semaphore, #tpu.memory_space<semaphore_mem>>, %arg13: memref<!tpu.dma_semaphore, #tpu.memory_space<semaphore_mem>>) attributes {dimension_semantics = [#tpu.dimension_semantics<core_parallel>, #tpu.dimension_semantics<subcore_parallel>], iteration_bounds = array<i64: 2, 16>, scalar_prefetch = 0 : i64, scratch_operands = 9 : i64, tpu.core_type = #tpu.core_type<sc_vector_subcore>, window_params = [{transform_indices = #map}, {transform_indices = #map}, {transform_indices = #map}]} {
    %mul3A = arith.constant 2 : i32
    %mul3A_0 = arith.muli %arg1, %mul3A : i32
    %add3A = arith.addi %mul3A_0, %arg0 : i32
    %mul3A_1 = arith.constant 1048576 : i32
    %mul3A_2 = arith.muli %add3A, %mul3A_1 : i32
    %mul3A_3 = arith.constant 524288 : i32
    %mul3A_4 = arith.muli %add3A, %mul3A_3 : i32
    "tpu.region"() ({
      %run_scoped3A = tpu.sem_alloc : memref<!tpu.dma_semaphore, #tpu.memory_space<semaphore_mem>>
      tpu.enqueue_dma source(%arg3 : memref<65536xi32, #tpu.memory_space<hbm>>) target(%arg5 : memref<65536xi32, #tpu.memory_space<vmem>>) target_semaphore(%run_scoped3A : memref<!tpu.dma_semaphore, #tpu.memory_space<semaphore_mem>>)
      tpu.wait_dma2 semaphore(%run_scoped3A : memref<!tpu.dma_semaphore, #tpu.memory_space<semaphore_mem>>) src(%arg3 : memref<65536xi32, #tpu.memory_space<hbm>>) dst(%arg5 : memref<65536xi32, #tpu.memory_space<vmem>>)
      tpu.yield
    }) : () -> ()
    %iota3A = tpu.iota {dimensions = array<i32: 0>} : vector<16xi32>
    %mul3A_5 = arith.constant 2 : i32
    %mul3A_6 = vector.broadcast %mul3A_5 : i32 to vector<16xi32>
    %mul3A_7 = arith.muli %iota3A, %mul3A_6 : vector<16xi32>
    %add3A_8 = arith.constant 1 : i32
    %add3A_9 = vector.broadcast %add3A_8 : i32 to vector<16xi32>
    %add3A_10 = arith.addi %mul3A_7, %add3A_9 : vector<16xi32>
    %add3A_11 = arith.constant 0 : i32
    %add3A_12 = arith.addi %mul3A_2, %add3A_11 : i32
    %dma_start3A = tpu.memref_slice %arg2[%add3A_12] : memref<33554432xf32, #tpu.memory_space<hbm>> -> memref<16384xf32, #tpu.memory_space<hbm>>
    %dma_start3A_13 = tpu.memref_slice %arg2[%add3A_12] : memref<33554432xf32, #tpu.memory_space<hbm>> -> memref<16384xf32, #tpu.memory_space<hbm>>
    tpu.enqueue_dma source(%dma_start3A_13 : memref<16384xf32, #tpu.memory_space<hbm>>) target(%arg6 : memref<16384xf32, #tpu.memory_space<vmem>>) target_semaphore(%arg10 : memref<!tpu.dma_semaphore, #tpu.memory_space<semaphore_mem>>)
    %add3A_14 = arith.constant 16384 : i32
    %add3A_15 = arith.addi %mul3A_2, %add3A_14 : i32
    %dma_start3A_16 = tpu.memref_slice %arg2[%add3A_15] : memref<33554432xf32, #tpu.memory_space<hbm>> -> memref<16384xf32, #tpu.memory_space<hbm>>
    %dma_start3A_17 = tpu.memref_slice %arg2[%add3A_15] : memref<33554432xf32, #tpu.memory_space<hbm>> -> memref<16384xf32, #tpu.memory_space<hbm>>
    tpu.enqueue_dma source(%dma_start3A_17 : memref<16384xf32, #tpu.memory_space<hbm>>) target(%arg7 : memref<16384xf32, #tpu.memory_space<vmem>>) target_semaphore(%arg11 : memref<!tpu.dma_semaphore, #tpu.memory_space<semaphore_mem>>)
    %scan3A = arith.constant 0 : i32
    %scan3A_18 = arith.constant 32 : i32
    %scan3A_19 = arith.addi %scan3A, %scan3A_18 : i32
    %scan3A_20 = arith.constant 1 : i32
    scf.for %scan3A_30 = %scan3A to %scan3A_19 step %scan3A_20  : i32 {
      %mul3A_31 = arith.constant 1 : i32
      %mul3A_32 = arith.muli %scan3A_30, %mul3A_31 : i32
      %add3A_33 = arith.constant 0 : i32
      %add3A_34 = arith.addi %add3A_33, %mul3A_32 : i32
      %mul3A_35 = arith.constant 2 : i32
      %mul3A_36 = arith.muli %add3A_34, %mul3A_35 : i32
      %add3A_37 = arith.constant 0 : i32
      %add3A_38 = arith.addi %mul3A_36, %add3A_37 : i32
      %mul3A_39 = arith.constant 16384 : i32
      %mul3A_40 = arith.muli %add3A_38, %mul3A_39 : i32
      %add3A_41 = arith.addi %mul3A_2, %mul3A_40 : i32
      %dma_wait3A_42 = tpu.memref_slice %arg2[%add3A_41] : memref<33554432xf32, #tpu.memory_space<hbm>> -> memref<16384xf32, #tpu.memory_space<hbm>>
      %dma_wait3A_43 = tpu.memref_slice %arg2[%add3A_41] : memref<33554432xf32, #tpu.memory_space<hbm>> -> memref<16384xf32, #tpu.memory_space<hbm>>
      tpu.wait_dma2 semaphore(%arg10 : memref<!tpu.dma_semaphore, #tpu.memory_space<semaphore_mem>>) src(%dma_wait3A_43 : memref<16384xf32, #tpu.memory_space<hbm>>) dst(%arg6 : memref<16384xf32, #tpu.memory_space<vmem>>)
      %gt3A = arith.constant 0 : i32
      %gt3A_44 = arith.cmpi sgt, %add3A_34, %gt3A : i32
      %convert_element_type3A = arith.extui %gt3A_44 : i1 to i32
      %cond3A = arith.constant 0 : i32
      %cond3A_45 = arith.cmpi ne, %convert_element_type3A, %cond3A : i32
      scf.if %cond3A_45 {
        %mul3A_90 = arith.constant 8192 : i32
        %mul3A_91 = arith.muli %add3A_38, %mul3A_90 : i32
        %add3A_92 = arith.addi %mul3A_4, %mul3A_91 : i32
        %multiple_of3A_93 = tpu.assume_multiple %add3A_92, 8 : i32
        %dma_wait3A_94 = tpu.memref_slice %arg4[%multiple_of3A_93] : memref<16777216xi32, #tpu.memory_space<hbm>> -> memref<8192xi32, #tpu.memory_space<hbm>>
        %dma_wait3A_95 = tpu.memref_slice %arg4[%multiple_of3A_93] : memref<16777216xi32, #tpu.memory_space<hbm>> -> memref<8192xi32, #tpu.memory_space<hbm>>
        tpu.wait_dma2 semaphore(%arg12 : memref<!tpu.dma_semaphore, #tpu.memory_space<semaphore_mem>>) src(%arg8 : memref<8192xi32, #tpu.memory_space<vmem>>) dst(%dma_wait3A_95 : memref<8192xi32, #tpu.memory_space<hbm>>)
      } else {
      }
      %parallel_loop3A = arith.constant 0 : i32
      %parallel_loop3A_46 = arith.constant 512 : i32
      %parallel_loop3A_47 = arith.constant 1 : i32
      scf.for %parallel_loop3A_90 = %parallel_loop3A to %parallel_loop3A_46 step %parallel_loop3A_47  : i32 {
        %parallel_loop3A_91 = arith.constant 32 : i32
        %parallel_loop3A_92 = arith.muli %parallel_loop3A_90, %parallel_loop3A_91 : i32
        %parallel_loop3A_93 = vector.broadcast %parallel_loop3A_92 : i32 to vector<16xi32>
        %parallel_loop3A_94 = arith.addi %mul3A_7, %parallel_loop3A_93 : vector<16xi32>
        %parallel_loop3A_95 = tpu.vector_load_idx %arg6[%parallel_loop3A_94] : memref<16384xf32, #tpu.memory_space<vmem>>[vector<16xi32>], vector<16xf32>,
        %parallel_loop3A_96 = vector.bitcast %parallel_loop3A_95 : vector<16xf32> to vector<16xi32>
        %parallel_loop3A_97 = arith.constant -939520000 : i32
        %parallel_loop3A_98 = vector.broadcast %parallel_loop3A_97 : i32 to vector<16xi32>
        %parallel_loop3A_99 = arith.addi %parallel_loop3A_96, %parallel_loop3A_98 : vector<16xi32>
        %parallel_loop3A_100 = arith.constant 13 : i32
        %parallel_loop3A_101 = vector.broadcast %parallel_loop3A_100 : i32 to vector<16xi32>
        %parallel_loop3A_102 = arith.shrui %parallel_loop3A_99, %parallel_loop3A_101 : vector<16xi32>
        %parallel_loop3A_103 = arith.constant 65535 : i32
        %parallel_loop3A_104 = vector.broadcast %parallel_loop3A_103 : i32 to vector<16xi32>
        %parallel_loop3A_105 = arith.minui %parallel_loop3A_102, %parallel_loop3A_104 : vector<16xi32>
        %parallel_loop3A_106 = vector.bitcast %parallel_loop3A_105 : vector<16xi32> to vector<16xi32>
        %parallel_loop3A_107 = tpu.vector_load_idx %arg5[%parallel_loop3A_106] : memref<65536xi32, #tpu.memory_space<vmem>>[vector<16xi32>], vector<16xi32>,
        %parallel_loop3A_108 = arith.constant 2.500000e+00 : f32
        %parallel_loop3A_109 = vector.broadcast %parallel_loop3A_108 : f32 to vector<16xf32>
        %parallel_loop3A_110 = arith.cmpf ogt, %parallel_loop3A_95, %parallel_loop3A_109 : vector<16xf32>
        %parallel_loop3A_111 = arith.select %parallel_loop3A_110, %parallel_loop3A_106, %parallel_loop3A_107 : vector<16xi1>, vector<16xi32>
        %parallel_loop3A_112 = arith.constant 32 : i32
        %parallel_loop3A_113 = arith.muli %parallel_loop3A_90, %parallel_loop3A_112 : i32
        %parallel_loop3A_114 = vector.broadcast %parallel_loop3A_113 : i32 to vector<16xi32>
        %parallel_loop3A_115 = arith.addi %add3A_10, %parallel_loop3A_114 : vector<16xi32>
        %parallel_loop3A_116 = tpu.vector_load_idx %arg6[%parallel_loop3A_115] : memref<16384xf32, #tpu.memory_space<vmem>>[vector<16xi32>], vector<16xf32>,
        %parallel_loop3A_117 = vector.bitcast %parallel_loop3A_116 : vector<16xf32> to vector<16xi32>
        %parallel_loop3A_118 = arith.constant -939520000 : i32
        %parallel_loop3A_119 = vector.broadcast %parallel_loop3A_118 : i32 to vector<16xi32>
        %parallel_loop3A_120 = arith.addi %parallel_loop3A_117, %parallel_loop3A_119 : vector<16xi32>
        %parallel_loop3A_121 = arith.constant 13 : i32
        %parallel_loop3A_122 = vector.broadcast %parallel_loop3A_121 : i32 to vector<16xi32>
        %parallel_loop3A_123 = arith.shrui %parallel_loop3A_120, %parallel_loop3A_122 : vector<16xi32>
        %parallel_loop3A_124 = arith.constant 65535 : i32
        %parallel_loop3A_125 = vector.broadcast %parallel_loop3A_124 : i32 to vector<16xi32>
        %parallel_loop3A_126 = arith.minui %parallel_loop3A_123, %parallel_loop3A_125 : vector<16xi32>
        %parallel_loop3A_127 = vector.bitcast %parallel_loop3A_126 : vector<16xi32> to vector<16xi32>
        %parallel_loop3A_128 = tpu.vector_load_idx %arg5[%parallel_loop3A_127] : memref<65536xi32, #tpu.memory_space<vmem>>[vector<16xi32>], vector<16xi32>,
        %parallel_loop3A_129 = arith.constant 2.500000e+00 : f32
        %parallel_loop3A_130 = vector.broadcast %parallel_loop3A_129 : f32 to vector<16xf32>
        %parallel_loop3A_131 = arith.cmpf ogt, %parallel_loop3A_116, %parallel_loop3A_130 : vector<16xf32>
        %parallel_loop3A_132 = arith.select %parallel_loop3A_131, %parallel_loop3A_127, %parallel_loop3A_128 : vector<16xi1>, vector<16xi32>
        %parallel_loop3A_133 = arith.constant 16 : i32
        %parallel_loop3A_134 = vector.broadcast %parallel_loop3A_133 : i32 to vector<16xi32>
        %parallel_loop3A_135 = arith.shli %parallel_loop3A_132, %parallel_loop3A_134 : vector<16xi32>
        %parallel_loop3A_136 = arith.ori %parallel_loop3A_111, %parallel_loop3A_135 : vector<16xi32>
        %parallel_loop3A_137 = arith.constant 16 : i32
        %parallel_loop3A_138 = arith.muli %parallel_loop3A_90, %parallel_loop3A_137 : i32
        %parallel_loop3A_139 = arith.index_cast %parallel_loop3A_138 : i32 to index
        %parallel_loop3A_140 = tpu.vector_load %arg8[%parallel_loop3A_139] {strides = array<i32>} : memref<8192xi32, #tpu.memory_space<vmem>>, vector<16xi32>,
        tpu.vector_store %arg8[%parallel_loop3A_139], %parallel_loop3A_136 {strides = array<i32>} : memref<8192xi32, #tpu.memory_space<vmem>>, vector<16xi32>,
      } {sc.loop_unroll_factor = 8 : i64, sc.parallel_access}
      %mul3A_48 = arith.constant 8192 : i32
      %mul3A_49 = arith.muli %add3A_38, %mul3A_48 : i32
      %add3A_50 = arith.addi %mul3A_4, %mul3A_49 : i32
      %multiple_of3A_51 = tpu.assume_multiple %add3A_50, 8 : i32
      %dma_start3A_52 = tpu.memref_slice %arg4[%multiple_of3A_51] : memref<16777216xi32, #tpu.memory_space<hbm>> -> memref<8192xi32, #tpu.memory_space<hbm>>
      %dma_start3A_53 = tpu.memref_slice %arg4[%multiple_of3A_51] : memref<16777216xi32, #tpu.memory_space<hbm>> -> memref<8192xi32, #tpu.memory_space<hbm>>
      tpu.enqueue_dma source(%arg8 : memref<8192xi32, #tpu.memory_space<vmem>>) target(%dma_start3A_53 : memref<8192xi32, #tpu.memory_space<hbm>>) target_semaphore(%arg12 : memref<!tpu.dma_semaphore, #tpu.memory_space<semaphore_mem>>)
      %add3A_54 = arith.constant 2 : i32
      %add3A_55 = arith.addi %add3A_38, %add3A_54 : i32
      %lt3A = arith.constant 64 : i32
      %lt3A_56 = arith.cmpi slt, %add3A_55, %lt3A : i32
      %convert_element_type3A_57 = arith.extui %lt3A_56 : i1 to i32
      %cond3A_58 = arith.constant 0 : i32
      %cond3A_59 = arith.cmpi ne, %convert_element_type3A_57, %cond3A_58 : i32
      scf.if %cond3A_59 {
        %add3A_90 = arith.constant 2 : i32
        %add3A_91 = arith.addi %add3A_38, %add3A_90 : i32
        %mul3A_92 = arith.constant 16384 : i32
        %mul3A_93 = arith.muli %add3A_91, %mul3A_92 : i32
        %add3A_94 = arith.addi %mul3A_2, %mul3A_93 : i32
        %dma_start3A_95 = tpu.memref_slice %arg2[%add3A_94] : memref<33554432xf32, #tpu.memory_space<hbm>> -> memref<16384xf32, #tpu.memory_space<hbm>>
        %dma_start3A_96 = tpu.memref_slice %arg2[%add3A_94] : memref<33554432xf32, #tpu.memory_space<hbm>> -> memref<16384xf32, #tpu.memory_space<hbm>>
        tpu.enqueue_dma source(%dma_start3A_96 : memref<16384xf32, #tpu.memory_space<hbm>>) target(%arg6 : memref<16384xf32, #tpu.memory_space<vmem>>) target_semaphore(%arg10 : memref<!tpu.dma_semaphore, #tpu.memory_space<semaphore_mem>>)
      } else {
      }
      %mul3A_60 = arith.constant 2 : i32
      %mul3A_61 = arith.muli %add3A_34, %mul3A_60 : i32
      %add3A_62 = arith.constant 1 : i32
      %add3A_63 = arith.addi %mul3A_61, %add3A_62 : i32
      %mul3A_64 = arith.constant 16384 : i32
      %mul3A_65 = arith.muli %add3A_63, %mul3A_64 : i32
      %add3A_66 = arith.addi %mul3A_2, %mul3A_65 : i32
      %dma_wait3A_67 = tpu.memref_slice %arg2[%add3A_66] : memref<33554432xf32, #tpu.memory_space<hbm>> -> memref<16384xf32, #tpu.memory_space<hbm>>
      %dma_wait3A_68 = tpu.memref_slice %arg2[%add3A_66] : memref<33554432xf32, #tpu.memory_space<hbm>> -> memref<16384xf32, #tpu.memory_space<hbm>>
      tpu.wait_dma2 semaphore(%arg11 : memref<!tpu.dma_semaphore, #tpu.memory_space<semaphore_mem>>) src(%dma_wait3A_68 : memref<16384xf32, #tpu.memory_space<hbm>>) dst(%arg7 : memref<16384xf32, #tpu.memory_space<vmem>>)
      %gt3A_69 = arith.constant 0 : i32
      %gt3A_70 = arith.cmpi sgt, %add3A_34, %gt3A_69 : i32
      %convert_element_type3A_71 = arith.extui %gt3A_70 : i1 to i32
      %cond3A_72 = arith.constant 0 : i32
      %cond3A_73 = arith.cmpi ne, %convert_element_type3A_71, %cond3A_72 : i32
      scf.if %cond3A_73 {
        %mul3A_90 = arith.constant 8192 : i32
        %mul3A_91 = arith.muli %add3A_63, %mul3A_90 : i32
        %add3A_92 = arith.addi %mul3A_4, %mul3A_91 : i32
        %multiple_of3A_93 = tpu.assume_multiple %add3A_92, 8 : i32
        %dma_wait3A_94 = tpu.memref_slice %arg4[%multiple_of3A_93] : memref<16777216xi32, #tpu.memory_space<hbm>> -> memref<8192xi32, #tpu.memory_space<hbm>>
        %dma_wait3A_95 = tpu.memref_slice %arg4[%multiple_of3A_93] : memref<16777216xi32, #tpu.memory_space<hbm>> -> memref<8192xi32, #tpu.memory_space<hbm>>
        tpu.wait_dma2 semaphore(%arg13 : memref<!tpu.dma_semaphore, #tpu.memory_space<semaphore_mem>>) src(%arg9 : memref<8192xi32, #tpu.memory_space<vmem>>) dst(%dma_wait3A_95 : memref<8192xi32, #tpu.memory_space<hbm>>)
      } else {
      }
      %parallel_loop3A_74 = arith.constant 0 : i32
      %parallel_loop3A_75 = arith.constant 512 : i32
      %parallel_loop3A_76 = arith.constant 1 : i32
      scf.for %parallel_loop3A_90 = %parallel_loop3A_74 to %parallel_loop3A_75 step %parallel_loop3A_76  : i32 {
        %parallel_loop3A_91 = arith.constant 32 : i32
        %parallel_loop3A_92 = arith.muli %parallel_loop3A_90, %parallel_loop3A_91 : i32
        %parallel_loop3A_93 = vector.broadcast %parallel_loop3A_92 : i32 to vector<16xi32>
        %parallel_loop3A_94 = arith.addi %mul3A_7, %parallel_loop3A_93 : vector<16xi32>
        %parallel_loop3A_95 = tpu.vector_load_idx %arg7[%parallel_loop3A_94] : memref<16384xf32, #tpu.memory_space<vmem>>[vector<16xi32>], vector<16xf32>,
        %parallel_loop3A_96 = vector.bitcast %parallel_loop3A_95 : vector<16xf32> to vector<16xi32>
        %parallel_loop3A_97 = arith.constant -939520000 : i32
        %parallel_loop3A_98 = vector.broadcast %parallel_loop3A_97 : i32 to vector<16xi32>
        %parallel_loop3A_99 = arith.addi %parallel_loop3A_96, %parallel_loop3A_98 : vector<16xi32>
        %parallel_loop3A_100 = arith.constant 13 : i32
        %parallel_loop3A_101 = vector.broadcast %parallel_loop3A_100 : i32 to vector<16xi32>
        %parallel_loop3A_102 = arith.shrui %parallel_loop3A_99, %parallel_loop3A_101 : vector<16xi32>
        %parallel_loop3A_103 = arith.constant 65535 : i32
        %parallel_loop3A_104 = vector.broadcast %parallel_loop3A_103 : i32 to vector<16xi32>
        %parallel_loop3A_105 = arith.minui %parallel_loop3A_102, %parallel_loop3A_104 : vector<16xi32>
        %parallel_loop3A_106 = vector.bitcast %parallel_loop3A_105 : vector<16xi32> to vector<16xi32>
        %parallel_loop3A_107 = tpu.vector_load_idx %arg5[%parallel_loop3A_106] : memref<65536xi32, #tpu.memory_space<vmem>>[vector<16xi32>], vector<16xi32>,
        %parallel_loop3A_108 = arith.constant 2.500000e+00 : f32
        %parallel_loop3A_109 = vector.broadcast %parallel_loop3A_108 : f32 to vector<16xf32>
        %parallel_loop3A_110 = arith.cmpf ogt, %parallel_loop3A_95, %parallel_loop3A_109 : vector<16xf32>
        %parallel_loop3A_111 = arith.select %parallel_loop3A_110, %parallel_loop3A_106, %parallel_loop3A_107 : vector<16xi1>, vector<16xi32>
        %parallel_loop3A_112 = arith.constant 32 : i32
        %parallel_loop3A_113 = arith.muli %parallel_loop3A_90, %parallel_loop3A_112 : i32
        %parallel_loop3A_114 = vector.broadcast %parallel_loop3A_113 : i32 to vector<16xi32>
        %parallel_loop3A_115 = arith.addi %add3A_10, %parallel_loop3A_114 : vector<16xi32>
        %parallel_loop3A_116 = tpu.vector_load_idx %arg7[%parallel_loop3A_115] : memref<16384xf32, #tpu.memory_space<vmem>>[vector<16xi32>], vector<16xf32>,
        %parallel_loop3A_117 = vector.bitcast %parallel_loop3A_116 : vector<16xf32> to vector<16xi32>
        %parallel_loop3A_118 = arith.constant -939520000 : i32
        %parallel_loop3A_119 = vector.broadcast %parallel_loop3A_118 : i32 to vector<16xi32>
        %parallel_loop3A_120 = arith.addi %parallel_loop3A_117, %parallel_loop3A_119 : vector<16xi32>
        %parallel_loop3A_121 = arith.constant 13 : i32
        %parallel_loop3A_122 = vector.broadcast %parallel_loop3A_121 : i32 to vector<16xi32>
        %parallel_loop3A_123 = arith.shrui %parallel_loop3A_120, %parallel_loop3A_122 : vector<16xi32>
        %parallel_loop3A_124 = arith.constant 65535 : i32
        %parallel_loop3A_125 = vector.broadcast %parallel_loop3A_124 : i32 to vector<16xi32>
        %parallel_loop3A_126 = arith.minui %parallel_loop3A_123, %parallel_loop3A_125 : vector<16xi32>
        %parallel_loop3A_127 = vector.bitcast %parallel_loop3A_126 : vector<16xi32> to vector<16xi32>
        %parallel_loop3A_128 = tpu.vector_load_idx %arg5[%parallel_loop3A_127] : memref<65536xi32, #tpu.memory_space<vmem>>[vector<16xi32>], vector<16xi32>,
        %parallel_loop3A_129 = arith.constant 2.500000e+00 : f32
        %parallel_loop3A_130 = vector.broadcast %parallel_loop3A_129 : f32 to vector<16xf32>
        %parallel_loop3A_131 = arith.cmpf ogt, %parallel_loop3A_116, %parallel_loop3A_130 : vector<16xf32>
        %parallel_loop3A_132 = arith.select %parallel_loop3A_131, %parallel_loop3A_127, %parallel_loop3A_128 : vector<16xi1>, vector<16xi32>
        %parallel_loop3A_133 = arith.constant 16 : i32
        %parallel_loop3A_134 = vector.broadcast %parallel_loop3A_133 : i32 to vector<16xi32>
        %parallel_loop3A_135 = arith.shli %parallel_loop3A_132, %parallel_loop3A_134 : vector<16xi32>
        %parallel_loop3A_136 = arith.ori %parallel_loop3A_111, %parallel_loop3A_135 : vector<16xi32>
        %parallel_loop3A_137 = arith.constant 16 : i32
        %parallel_loop3A_138 = arith.muli %parallel_loop3A_90, %parallel_loop3A_137 : i32
        %parallel_loop3A_139 = arith.index_cast %parallel_loop3A_138 : i32 to index
        %parallel_loop3A_140 = tpu.vector_load %arg9[%parallel_loop3A_139] {strides = array<i32>} : memref<8192xi32, #tpu.memory_space<vmem>>, vector<16xi32>,
        tpu.vector_store %arg9[%parallel_loop3A_139], %parallel_loop3A_136 {strides = array<i32>} : memref<8192xi32, #tpu.memory_space<vmem>>, vector<16xi32>,
      } {sc.loop_unroll_factor = 8 : i64, sc.parallel_access}
      %mul3A_77 = arith.constant 8192 : i32
      %mul3A_78 = arith.muli %add3A_63, %mul3A_77 : i32
      %add3A_79 = arith.addi %mul3A_4, %mul3A_78 : i32
      %multiple_of3A_80 = tpu.assume_multiple %add3A_79, 8 : i32
      %dma_start3A_81 = tpu.memref_slice %arg4[%multiple_of3A_80] : memref<16777216xi32, #tpu.memory_space<hbm>> -> memref<8192xi32, #tpu.memory_space<hbm>>
      %dma_start3A_82 = tpu.memref_slice %arg4[%multiple_of3A_80] : memref<16777216xi32, #tpu.memory_space<hbm>> -> memref<8192xi32, #tpu.memory_space<hbm>>
      tpu.enqueue_dma source(%arg9 : memref<8192xi32, #tpu.memory_space<vmem>>) target(%dma_start3A_82 : memref<8192xi32, #tpu.memory_space<hbm>>) target_semaphore(%arg13 : memref<!tpu.dma_semaphore, #tpu.memory_space<semaphore_mem>>)
      %add3A_83 = arith.constant 2 : i32
      %add3A_84 = arith.addi %add3A_63, %add3A_83 : i32
      %lt3A_85 = arith.constant 64 : i32
      %lt3A_86 = arith.cmpi slt, %add3A_84, %lt3A_85 : i32
      %convert_element_type3A_87 = arith.extui %lt3A_86 : i1 to i32
      %cond3A_88 = arith.constant 0 : i32
      %cond3A_89 = arith.cmpi ne, %convert_element_type3A_87, %cond3A_88 : i32
      scf.if %cond3A_89 {
        %add3A_90 = arith.constant 2 : i32
        %add3A_91 = arith.addi %add3A_63, %add3A_90 : i32
        %mul3A_92 = arith.constant 16384 : i32
        %mul3A_93 = arith.muli %add3A_91, %mul3A_92 : i32
        %add3A_94 = arith.addi %mul3A_2, %mul3A_93 : i32
        %dma_start3A_95 = tpu.memref_slice %arg2[%add3A_94] : memref<33554432xf32, #tpu.memory_space<hbm>> -> memref<16384xf32, #tpu.memory_space<hbm>>
        %dma_start3A_96 = tpu.memref_slice %arg2[%add3A_94] : memref<33554432xf32, #tpu.memory_space<hbm>> -> memref<16384xf32, #tpu.memory_space<hbm>>
        tpu.enqueue_dma source(%dma_start3A_96 : memref<16384xf32, #tpu.memory_space<hbm>>) target(%arg7 : memref<16384xf32, #tpu.memory_space<vmem>>) target_semaphore(%arg11 : memref<!tpu.dma_semaphore, #tpu.memory_space<semaphore_mem>>)
      } else {
      }
    }
    %scan3A_21 = arith.constant 32 : i32
    %add3A_22 = arith.constant 507904 : i32
    %add3A_23 = arith.addi %mul3A_4, %add3A_22 : i32
    %multiple_of3A = tpu.assume_multiple %add3A_23, 8 : i32
    %dma_wait3A = tpu.memref_slice %arg4[%multiple_of3A] : memref<16777216xi32, #tpu.memory_space<hbm>> -> memref<8192xi32, #tpu.memory_space<hbm>>
    %dma_wait3A_24 = tpu.memref_slice %arg4[%multiple_of3A] : memref<16777216xi32, #tpu.memory_space<hbm>> -> memref<8192xi32, #tpu.memory_space<hbm>>
    tpu.wait_dma2 semaphore(%arg12 : memref<!tpu.dma_semaphore, #tpu.memory_space<semaphore_mem>>) src(%arg8 : memref<8192xi32, #tpu.memory_space<vmem>>) dst(%dma_wait3A_24 : memref<8192xi32, #tpu.memory_space<hbm>>)
    %add3A_25 = arith.constant 516096 : i32
    %add3A_26 = arith.addi %mul3A_4, %add3A_25 : i32
    %multiple_of3A_27 = tpu.assume_multiple %add3A_26, 8 : i32
    %dma_wait3A_28 = tpu.memref_slice %arg4[%multiple_of3A_27] : memref<16777216xi32, #tpu.memory_space<hbm>> -> memref<8192xi32, #tpu.memory_space<hbm>>
    %dma_wait3A_29 = tpu.memref_slice %arg4[%multiple_of3A_27] : memref<16777216xi32, #tpu.memory_space<hbm>> -> memref<8192xi32, #tpu.memory_space<hbm>>
    tpu.wait_dma2 semaphore(%arg13 : memref<!tpu.dma_semaphore, #tpu.memory_space<semaphore_mem>>) src(%arg9 : memref<8192xi32, #tpu.memory_space<vmem>>) dst(%dma_wait3A_29 : memref<8192xi32, #tpu.memory_space<hbm>>)
    return
  }
}

</mosaic_0001>

<sc_bundles>
// kernel: kernel.3.cloned.1.call-start
scs
__scs_entry_jumppad:
0x0: {  	(pc) =	sbr.rel $0x88, $3  }
0x1: {  	(tag) =	ssettag $0x0;
	lr =	simm.s32 $0x1  }
0x2: {  	[smem:$0x3FA0] =	sst lr;
	_ =	strace $0xD0000000  }
0x3: {  	_ = 	snop  }
0x4: {  	_ = 	snop  }
0x5: {  	_ = 	snop  }
0x6: {  	_ = 	snop  }
0x7: {  	_ = 	snop  }
__scs_overlays_trampoline_lowered:
0x8: {  	[smem:$0x3FAF] =	sst s0  }
0x9: {  	[smem:$0x3FB0] =	sst s1  }
0xa: {  	[smem:$0x3FB1] =	sst s2  }
0xb: {  	[smem:$0x3FB2] =	sst s3  }
0xc: {  	[smem:$0x3FB3] =	sst s4  }
0xd: {  	[smem:$0x3FB4] =	sst s5  }
0xe: {  	[smem:$0x3FB5] =	sst s6  }
0xf: {  	[smem:$0x3FB6] =	sst s7  }
0x10: {  	[smem:$0x3FB7] =	sst s8  }
0x11: {  	[smem:$0x3FB8] =	sst s9;
	s0 =	simm.s32 @!p0 $0x0  }
0x12: {  	s1 =	sld [smem:$0x3F9E];
	s0 =	simm.s32 @p0 $0x1  }
0x13: {  	[smem:$0x3FB9] =	sst s0;
	s0 =	simm.s32 @!p1 $0x0  }
0x14: {  	s2 =	sld [smem:$0x3F9D];
	s0 =	simm.s32 @p1 $0x1  }
0x15: {  	[smem:$0x3FBA] =	sst s0;
	s0 =	simm.s32 @!p2 $0x0  }
0x16: {  	s3 =	sld [smem:$0x3FDB];
	s0 =	simm.s32 @p2 $0x1  }
0x17: {  	s4 =	simm.s32 $0x1BF5;
	[smem:$0x3FBC] =	sst s0  }
0x18: {  	s0 =	sld [smem:$0x3F9F];
	_ =	swait.ge [sflag:s4], $0x0  }
0x19: {  	s7 =	sld [smem:$0x3FA0]  }
0x1a: {  	s8 =	sadd.s32 $0xFFFFE003, lr  }
0x1b: {  	s9 =	sadd.s32 $0xFFFFFEF7, lr;
	s5 =	simm.s32 $0xFFFFFFFF;
	p2 =	slt.u32 s8, $0xFFFFF086  }
0x1c: {  	p1 =	slt.u32 s9, $0xF7A;
	s5 =	simm.s32 @!p2 $0x0  }
0x1d: {  	s5 =	simm.s32 @p1 $0x1;
	p0 =	seq.s32 s7, s2  }
0x1e: {  	s7 =	smul.u32 @!p0 $0xF7A, s2;
	p2 =	seq.s32 @!p0 s5, $0x0  }
0x1f: {  	s9 =	smul.u32 $0xF7A, s1;
	s8 =	simm.s32 @!p0 $0x1BF5;
	p2 =	por !p2, p0  }
0x20: {  	[sflag:s8] =	ssyncset.s32 @!p0 $0xFFFFF086;
	s6 =	sadd.s32 @!p0 s3, s7;
	s7 =	simm.s32 @!p0 $0x108  }
0x21: {  	s3 =	sadd.s32 s3, s9;
	s6 =	sadd.s32 @!p0 $0x88, s6;
	s7 =	simm.s32 @p2 $0x1082  }
0x22: {  	[simem:s7], [sflag:s8] =	dma.local @!p0 [hbm:s6], $0xF7A  }
0x23: {  	s9 =	sor.u32 $0xD0000000, s2;
	s6 =	simm.s32 $0x108;
	_ =	swait.ge @!p0 [sflag:s8], $0x0  }
0x24: {  	s3 =	sadd.s32 $0x88, s3;
	s6 =	simm.s32 @!p1 $0x1082;
	[sflag:s4] =	ssyncset.s32 $0xFFFFF086  }
0x25: {  	[simem:s6], [sflag:s4] =	dma.local [hbm:s3], $0xF7A  }
0x26: {  	[smem:$0x3FA0] =	sst s1;
	(tag) =	ssettag s2;
	_ =	strace s9  }
0x27: {  	s1 =	sld [smem:$0x3FB0]  }
0x28: {  	s2 =	sld [smem:$0x3FB1]  }
0x29: {  	s4 =	sld [smem:$0x3FB3]  }
0x2a: {  	p0 =	seq.s32 s5, $0x0;
	s5 =	sld [smem:$0x3FB4]  }
0x2b: {  	s6 =	sld [smem:$0x3FB5]  }
0x2c: {  	s7 =	sld [smem:$0x3FB6]  }
0x2d: {  	s3 =	simm.s32 $0x108;
	s8 =	sld [smem:$0x3FB7]  }
0x2e: {  	s3 =	simm.s32 @!p0 $0x1082;
	s9 =	sld [smem:$0x3FB8]  }
0x2f: {  	lr =	sadd.s32 s0, s3;
	s0 =	sld [smem:$0x3FAF]  }
0x30: {  	s3 =	sld [smem:$0x3FB2]  }
0x31: {  	[smem:$0x3FBB] =	sst s10  }
0x32: {  	s10 =	sld [smem:$0x3FB9];
	_ =	sdelay $0x3  }
0x33: {  	p0 =	seq.s32 s10, $0x1;
	s10 =	sld [smem:$0x3FBB];
	_ =	sdelay $0x3  }
0x34: {  	[smem:$0x3FBB] =	sst s10  }
0x35: {  	s10 =	sld [smem:$0x3FBA];
	_ =	sdelay $0x3  }
0x36: {  	p1 =	seq.s32 s10, $0x1;
	s10 =	sld [smem:$0x3FBB];
	_ =	sdelay $0x3  }
0x37: {  	[smem:$0x3FBB] =	sst s10  }
0x38: {  	s10 =	sld [smem:$0x3FBC]  }
0x39: {  	_ = 	snop;
	(pc) =	sbr.ind lr, $3  }
0x3a: {  	_ = 	snop  }
0x3b: {  	_ = 	snop  }
0x3c: {  	p2 =	seq.s32 s10, $0x1;
	s10 =	sld [smem:$0x3FBB]  }
0x3d: {  	_ =	shalt  }
0x3e: {  	_ =	shalt  }
0x3f: {  	_ =	shalt  }
0x40: {  	_ =	shalt  }
0x41: {  	_ =	shalt  }
0x42: {  	_ =	shalt  }
0x43: {  	_ =	shalt  }
0x44: {  	_ =	shalt  }
0x45: {  	_ =	shalt  }
0x46: {  	_ =	shalt  }
0x47: {  	_ =	shalt  }
0x48: {  	_ =	shalt  }
0x49: {  	_ =	shalt  }
0x4a: {  	_ =	shalt  }
0x4b: {  	_ =	shalt  }
0x4c: {  	_ =	shalt  }
0x4d: {  	_ =	shalt  }
0x4e: {  	_ =	shalt  }
0x4f: {  	_ =	shalt  }
0x50: {  	_ =	shalt  }
0x51: {  	_ =	shalt  }
0x52: {  	_ =	shalt  }
0x53: {  	_ =	shalt  }
0x54: {  	_ =	shalt  }
0x55: {  	_ =	shalt  }
0x56: {  	_ =	shalt  }
0x57: {  	_ =	shalt  }
0x58: {  	_ =	shalt  }
0x59: {  	_ =	shalt  }
0x5a: {  	_ =	shalt  }
0x5b: {  	_ =	shalt  }
0x5c: {  	_ =	shalt  }
0x5d: {  	_ =	shalt  }
0x5e: {  	_ =	shalt  }
0x5f: {  	_ =	shalt  }
0x60: {  	_ =	shalt  }
0x61: {  	_ =	shalt  }
0x62: {  	_ =	shalt  }
0x63: {  	_ =	shalt  }
0x64: {  	_ =	shalt  }
0x65: {  	_ =	shalt  }
0x66: {  	_ =	shalt  }
0x67: {  	_ =	shalt  }
0x68: {  	_ =	shalt  }
0x69: {  	_ =	shalt  }
0x6a: {  	_ =	shalt  }
0x6b: {  	_ =	shalt  }
0x6c: {  	_ =	shalt  }
0x6d: {  	_ =	shalt  }
0x6e: {  	_ =	shalt  }
0x6f: {  	_ =	shalt  }
0x70: {  	_ =	shalt  }
0x71: {  	_ =	shalt  }
0x72: {  	_ =	shalt  }
0x73: {  	_ =	shalt  }
0x74: {  	_ =	shalt  }
0x75: {  	_ =	shalt  }
0x76: {  	_ =	shalt  }
0x77: {  	_ =	shalt  }
0x78: {  	_ =	shalt  }
0x79: {  	_ =	shalt  }
0x7a: {  	_ =	shalt  }
0x7b: {  	_ =	shalt  }
0x7c: {  	_ =	shalt  }
0x7d: {  	_ =	shalt  }
0x7e: {  	_ =	shalt  }
0x7f: {  	_ =	shalt  }
0x80: {  	_ =	shalt  }
0x81: {  	_ =	shalt  }
0x82: {  	_ =	shalt  }
0x83: {  	_ =	shalt  }
0x84: {  	_ =	shalt  }
0x85: {  	_ =	shalt  }
0x86: {  	_ =	shalt  }
0x87: {  	_ =	shalt  }
.Lfunc_end0:
.L_simem_size_0:
called_computation.3_lowered:
.L_overlay_start_0:
0x88: {  	s2 =	sld [smem:$0x3FD9]  }
0x89: {  	s3 =	sld [smem:$0x3FFE];
	_ =	sdelay $0x1  }
0x8a: {  	s1 =	srdreg.scid  }
0x8b: {  	s0 =	sand.u32 $0x1, s1  }
0x8c: {  	s17 =	sshll.u32 s0, $0xA;
	s2 =	sadd.s32 s3, s2  }
0x8d: {  	s2 =	sadd.s32 s2, s17  }
0x8e: {  	[smem:$0x3FC7] =	sst s2  }
0x8f: {  	_ = 	snop  }
0x90: {  	s2 =	sld [smem:$0x3FD0];
	(tm) =	ssettm $0x1  }
0x91: {  	s18 =	sld [smem:$0x3FFB];
	_ =	sdelay $0x3  }
0x92: {  	_ =	strace s18  }
0x93: {  	s3 =	sld [smem:$0x3FFC];
	_ =	sdelay $0x3  }
0x94: {  	_ =	strace s3  }
0x95: {  	s3 =	sld [smem:$0x3FFD];
	_ =	sdelay $0x3  }
0x96: {  	_ =	strace s3  }
0x97: {  	_ =	strace $0x8FFFFFFF  }
0x98: {  	s19 =	sld [smem:$0x3FDB];
	_ =	sdelay $0x1  }
0x99: {  	s4 =	simm.s32 $_scs_section_size  }
0x9a: {  	s5 =	simm.s32 $_size__tile_overlayer_lowered;
	s6 =	simm.s32 $_tile_overlayer_lowered  }
0x9b: {  	s22 =	simm.s32 $0x1BFF;
	s21 =	sshll.u32 s6, $0x1;
	s3 =	sadd.s32 s4, s19  }
0x9c: {  	s7 =	simm.s32 $0x0;
	s20 =	sshll.u32 s5, $0x1;
	s5 =	sadd.s32 s21, s3  }
0x9d: {  	[timem:s7], [sflag:s22] =	dma.local [hbm:s5], s20  }
0x9e: {  	_ =	swait.ge [sflag:s22], s20  }
0x9f: {  	s4 =	ssub.s32 $0x0, s20;
	[sflag:s22] =	ssyncset.done $0x0  }
0xa0: {  	[sflag:s22] =	ssyncadd.s32 s4;
	_ =	sdelay $0x1  }
0xa1: {  	s23 =	simm.s32 $0x1B8B  }
0xa2: {  	_ =	swait.ge [sflag:s23], $0x1  }
0xa3: {  	[sflag:s23] =	ssyncset.done $0x0  }
0xa4: {  	s25 =	simm.s32 $0x1B8E;
	s24 =	sld [smem:$0x3FFE];
	[sflag:s23] =	ssyncadd.s32 $0xFFFFFFFF  }
0xa5: {  	s26 =	simm.s32 $execute0_lowered;
	[smem:$0x3FD2] =	sst s25  }
0xa6: {  	s5 =	sshll.u32 s26, $0x1;
	_ =	strace $0x80000049;
	[dreg:$0x1] =	wrdreg $0xFFFFFFFF  }
0xa7: {  	s28 =	simm.s32 $_size_execute0_lowered;
	s3 =	sadd.s32 s3, s5;
	[dreg:$0x0] =	wrdreg $0x0  }
0xa8: {  	s5 =	sshll.u32 s28, $0x1;
	[dreg:$0x2] =	wrdreg s3  }
0xa9: {  	[dreg:$0x3] =	wrdreg s5  }
0xaa: {  	[dreg:$0x4] =	wrdreg $0xC0  }
0xab: {  	_ =	task [dreg:s7], $0x5FFFF  }
0xac: {  	[dreg:$0x1] =	wrdreg $0xFFFFFFFF  }
0xad: {  	[dreg:$0x0] =	wrdreg $0x60  }
0xae: {  	[dreg:$0x2] =	wrdreg s24  }
0xaf: {  	[dreg:$0x3] =	wrdreg s2  }
0xb0: {  	[dreg:$0x4] =	wrdreg $0x9  }
0xb1: {  	_ =	task.clear_ibuf [dreg:s7], $0x5FFFF;
	_ =	strace $0x90000049  }
0xb2: {  	s29 =	simm.s32 $0x9;
	_ =	strace $0x8000004B  }
0xb3: {  	_ =	swait.ge [sflag:s29], $0x1  }
0xb4: {  	[sflag:s29] =	ssyncadd.s32 $0xFFFFFFFF  }
0xb5: {  	_ =	strace $0x9000004B  }
0xb6: {  	_ =	sfence  }
0xb7: {  	s30 =	sld [smem:$0x0];
	_ =	sdelay $0x2  }
0xb8: {  	s31 =	sshll.u32 s1, $0xD;
	s1 =	sshrl.u32 s1, $0x2  }
0xb9: {  	s3 =	sand.u32 $0x4000, s31;
	s1 =	sadd.s32 s1, s30  }
0xba: {  	s0 =	sor.u32 s3, s0;
	s1 =	sshll.u32 s1, $0x11  }
0xbb: {  	s0 =	sor.u32 s1, s0  }
0xbc: {  	s0 =	sadd.s32 $0x8F2B, s0  }
0xbd: {  	[sflag:s0] =	ssyncadd.remote.s32 $0x1  }
0xbe: {  	_ =	sfence.sel $0xFFFF  }
0xbf: {  	[dreg:$0x0] =	wrdreg $0xFFFFFFFF;
	(pc) =	sbr.abs _section_cstart, $3  }
0xc0: {  	[dreg:$0x1] =	wrdreg $0xFFFFFFFF  }
0xc1: {  	_ =	task.clear_ibuf [dreg:s7], $0x2FFFF;
	_ =	strace $0x9FFFFFFF  }
0xc2: {  	(tm) =	ssettm $0x7FFFFFFF  }
0xc3: {  	_ =	shalt  }
tec
execute0_lowered:
.L_overlay_start_1:
0x0: {  	(tag) =	ssettag $0x1  }
0x1: {  	s5 =	rddreg [dreg:$0x0]  }
0x2: {  	s1 =	rddreg [dreg:$0x1];
	s3 =	simm.s32 $0x0;
	s4 =	srdreg.scid  }
0x3: {  	s2 =	stileid.u32;
	s12 =	simm.s32 $0x5;
	s13 =	simm.s32 $0x10000  }
0x4: {  	s14 =	simm.s32 $0x14000;
	s15 =	simm.s32 $0x1;
	s16 =	simm.s32 $0x18000  }
0x5: {  	s17 =	simm.s32 $0x2;
	s18 =	simm.s32 $0x4;
	s19 =	simm.s32 $0x1A000  }
0x6: {  	s20 =	simm.s32 $0x3;
	s21 =	simm.s32 $0x0;
	[smem:$0x7FF] =	sst s3  }
0x7: {  	v0 =	vlaneseq.u32;
	s6 =	sand.u32 $0x1, s4;
	s7 =	sshll.u32 s2, $0x1;
	s4 =	sadd.s32 $0x1200, s5  }
.Ltmp0:
0x8: {  	s5 =	sadd.s32 $0x401200, s5;
	v0 =	vmul.u32 $0x2, v0;
	s8 =	ssub.s32 $0x2, s6;
	(pc) =	sbr.rel .LBB2_1-.Ltmp0, $4  }
0x9: {  	_ =	strace $0x8000004A;
	s7 =	sor.u32 s6, s7;
	s31 =	sshrl.u32 s8, $0x1  }
0xa: {  	s9 =	sshll.u32 s7, $0x11;
	s10 =	sshll.u32 s7, $0x14;
	s7 =	sshll.u32 s7, $0x13;
	v1 =	vor.u32 $0x1, v0  }
0xb: {  	v2 =	vor.u32 $0x20, v0;
	v3 =	vor.u32 $0x21, v0;
	v4 =	vor.u32 $0x40, v0;
	s11 =	ssub.s32 s8, s31;
	s6 =	sadd.s32 s4, s9;
	s9 =	sor.u32 $0x8000, s10  }
0xc: {  	v5 =	vor.u32 $0x41, v0;
	v6 =	vor.u32 $0x60, v0;
	v7 =	vor.u32 $0x61, v0;
	s10 =	sor.u32 $0xC000, s10;
	s8 =	sadd.s32 $0x800, s6;
	s11 =	smax.u32 s11, $0x1  }
.LBB2_12:
0xd: {  	s21 =	sadd.s32 $0x1, s21  }
0xe: {  	_ =	swait.ge [sflag:s20], $0x2000;
	p0 =	sne.s32 s21, s11  }
.Ltmp1:
0xf: {  	[sflag:s20] =	ssyncset.done $0x0;
	(pc) =	sbr.rel @!p0 .LBB2_13-.Ltmp1, $4  }
0x10: {  	[sflag:s20] =	ssyncadd.s32 $0xFFFFE000  }
0x11: {  	_ =	swait.ge [sflag:s18], $0x2000  }
0x12: {  	[sflag:s18] =	ssyncset.done $0x0  }
0x13: {  	[sflag:s18] =	ssyncadd.s32 $0xFFFFE000  }
.LBB2_1:
0x14: {  	[tilespmem:s3], [sflag:$0x5] =	stream.linear.gather [hbm4b:s1+s3], $0x10000, $0x38;
	[tilespmem:$0x1C000] =	vst v63  }
0x15: {  	_ =	swait.ge [sflag:s12], $0x10000  }
0x16: {  	[sflag:s12] =	ssyncset.done $0x0  }
0x17: {  	[sflag:s12] =	ssyncadd.s32 $0xFFFF0000  }
0x18: {  	[tilespmem:s13], [sflag:$0x1] =	stream.linear.gather [hbm4b:s6+s3], $0x4000, $0x38;
	[tilespmem:$0x1C000] =	vst v63  }
0x19: {  	s22 =	simm.s32 $0x0  }
0x1a: {  	[tilespmem:s14], [sflag:$0x2] =	stream.linear.gather [hbm4b:s8+s3], $0x4000, $0x38;
	[tilespmem:$0x1C000] =	vst v63  }
.LBB2_2:
0x1b: {  	_ =	swait.ge [sflag:s15], $0x4000;
	s23 =	simm.s32 $0x0  }
0x1c: {  	p0 =	seq.s32 s22, $0x0;
	s24 =	simm.s32 $0xE0;
	[sflag:s15] =	ssyncset.done $0x0;
	v8 =	vor.u32 s23, v1  }
0x1d: {  	s25 =	simm.s32 @!p0 $0x3;
	v9 =	vor.u32 s24, v7;
	[sflag:s15] =	ssyncadd.s32 $0xFFFFC000  }
0x1e: {  	s26 =	simm.s32 $0x80;
	v10 =	vor.u32 s24, v6;
	_ =	swait.ge @!p0 [sflag:s25], $0x2000  }
0x1f: {  	s30 =	simm.s32 $0xA0;
	v11 =	vor.u32 s26, v1;
	[sflag:s25] =	ssyncset.done @!p0 $0x0  }
0x20: {  	v12 =	vor.u32 s30, v3;
	[sflag:s25] =	ssyncadd.s32 @!p0 $0xFFFFE000  }
0x21: {  	v14 =	vor.u32 s23, v3;
	v8 =	vld.idx.msk [tilespmem:v8+s13+$0x0], $0xffff  }
0x22: {  	v23 =	vor.u32 s23, v0;
	v15 =	vld.idx.msk [tilespmem:v9+s13+$0x0], $0xffff  }
0x23: {  	s31 =	simm.s32 $0xC0;
	v20 =	vor.u32 s23, v2;
	v10 =	vld.idx.msk [tilespmem:v10+s13+$0x0], $0xffff  }
0x24: {  	v13 =	vor.u32 s31, v5;
	v19 =	vld.idx.msk [tilespmem:v11+s13+$0x0], $0xffff  }
0x25: {  	v16 =	vor.u32 s23, v7;
	v22 =	vld.idx.msk [tilespmem:v12+s13+$0x0], $0xffff  }
0x26: {  	v11 =	vor.u32 s31, v4;
	v25 =	vld.idx.msk [tilespmem:v14+s13+$0x0], $0xffff  }
0x27: {  	v12 =	vor.u32 s23, v6;
	v23 =	vld.idx.msk [tilespmem:v23+s13+$0x0], $0xffff  }
0x28: {  	v33 =	vld.idx.msk [tilespmem:v20+s13+$0x0], $0xffff  }
0x29: {  	v24 =	vld.idx.msk [tilespmem:v13+s13+$0x0], $0xffff  }
0x2a: {  	v17 =	vor.u32 s26, v0;
	v18 =	vor.u32 s30, v2;
	v16 =	vld.idx.msk [tilespmem:v16+s13+$0x0], $0xffff  }
0x2b: {  	v21 =	vor.u32 s23, v4;
	v9 =	vor.u32 s23, v5;
	v13 =	vadd.s32 $0xC8001000, v8;
	v30 =	vld.idx.msk [tilespmem:v11+s13+$0x0], $0xffff  }
0x2c: {  	vm0 =	vgt.f32 v8, $2.500000000e+00;
	v11 =	vadd.s32 $0xC8001000, v25;
	v37 =	vld.idx.msk [tilespmem:v12+s13+$0x0], $0xffff;
	v12 =	vadd.s32 $0xC8001000, v23  }
0x2d: {  	v39 =	vadd.s32 $0xC8001000, v33;
	vm1 =	vgt.f32 v15, $2.500000000e+00;
	vm2 =	vgt.f32 v10, $2.500000000e+00  }
0x2e: {  	vm3 =	vgt.f32 v24, $2.500000000e+00;
	vm4 =	vgt.f32 v25, $2.500000000e+00;
	v8 =	vshrl.u32 v13, $0xD  }
0x2f: {  	vm7 =	vgt.f32 v16, $2.500000000e+00;
	v13 =	vadd.s32 $0xC8001000, v15;
	v27 =	vmin.u32 v8, $0xFFFF  }
0x30: {  	v26 =	vld.idx.msk [tilespmem:v9+s13+$0x0], $0xffff;
	v8 =	vadd.s32 $0xC8001000, v10;
	v9 =	vshrl.u32 v13, $0xD;
	v13 =	vadd.s32 $0xC8001000, v19  }
0x31: {  	v29 =	vld.idx.msk [tilespmem:v18+s13+$0x0], $0xffff;
	v8 =	vshrl.u32 v8, $0xD;
	v14 =	vmin.u32 v9, $0xFFFF;
	v9 =	vshrl.u32 v13, $0xD  }
0x32: {  	v28 =	vld.idx.msk [tilespmem:v17+s13+$0x0], $0xffff;
	v13 =	vadd.s32 $0xC8001000, v22;
	v17 =	vmin.u32 v8, $0xFFFF;
	v18 =	vmin.u32 v9, $0xFFFF  }
0x33: {  	v36 =	vld.idx.msk [tilespmem:v21+s13+$0x0], $0xffff;
	v8 =	vshrl.u32 v13, $0xD;
	v9 =	vadd.s32 $0xC8001000, v24;
	v21 =	vadd.s32 $0xC8001000, v30  }
0x34: {  	v31 =	vmin.u32 v8, $0xFFFF;
	v8 =	vshrl.u32 v9, $0xD;
	v21 =	vshrl.u32 v21, $0xD  }
0x35: {  	v9 =	vshrl.u32 v11, $0xD;
	v11 =	vadd.s32 $0xC8001000, v26;
	v10 =	vmin.u32 v21, $0xFFFF;
	v21 =	vld.idx.msk [tilespmem:v27+s3+$0x0], $0xffff  }
0x36: {  	vm6 =	vgt.f32 v29, $2.500000000e+00;
	v32 =	vmin.u32 v8, $0xFFFF;
	v8 =	vshrl.u32 v11, $0xD;
	v11 =	vld.idx.msk [tilespmem:v14+s3+$0x0], $0xffff  }
0x37: {  	v12 =	vshrl.u32 v12, $0xD;
	v20 =	vmin.u32 v9, $0xFFFF;
	v9 =	vadd.s32 $0xC8001000, v16;
	v13 =	vld.idx.msk [tilespmem:v17+s3+$0x0], $0xffff  }
0x38: {  	v34 =	vmin.u32 v8, $0xFFFF;
	v8 =	vshrl.u32 v9, $0xD;
	v9 =	vadd.s32 $0xC8001000, v28  }
0x39: {  	v35 =	vmin.u32 v8, $0xFFFF;
	v8 =	vshrl.u32 v9, $0xD;
	v9 =	vadd.s32 $0xC8001000, v29;
	v38 =	vld.idx.msk [tilespmem:v18+s3+$0x0], $0xffff  }
0x3a: {  	v15 =	vshrl.u32 v39, $0xD;
	v8 =	vmin.u32 v8, $0xFFFF;
	v9 =	vshrl.u32 v9, $0xD;
	v40 =	vld.idx.msk [tilespmem:v31+s3+$0x0], $0xffff  }
0x3b: {  	vm5 =	vgt.f32 v26, $2.500000000e+00;
	v9 =	vmin.u32 v9, $0xFFFF;
	v63 =	vld.idx.msk [tilespmem:v32+s3+$0x0], $0xffff;
	v11 =	vsel vm1, v14, v11  }
0x3c: {  	v42 =	vld.idx.msk [tilespmem:v20+s3+$0x0], $0xffff;
	v25 =	vsel vm0, v27, v21;
	v13 =	vsel vm2, v17, v13;
	v14 =	vshll.u32 v11, $0x10  }
0x3d: {  	v43 =	vld.idx.msk [tilespmem:v34+s3+$0x0], $0xffff;
	v11 =	vmin.u32 v12, $0xFFFF;
	v17 =	vadd.s32 $0xC8001000, v36;
	v12 =	vmin.u32 v15, $0xFFFF  }
0x3e: {  	v44 =	vld.idx.msk [tilespmem:v35+s3+$0x0], $0xffff;
	v41 =	vor.u32 v13, v14;
	v13 =	vshrl.u32 v17, $0xD;
	v14 =	vadd.s32 $0xC8001000, v37  }
0x3f: {  	vm0 =	vgt.f32 v37, $2.500000000e+00;
	v15 =	vld.idx.msk [tilespmem:v8+s3+$0x0], $0xffff;
	v13 =	vmin.u32 v13, $0xFFFF;
	v14 =	vshrl.u32 v14, $0xD  }
0x40: {  	vm1 =	vgt.f32 v19, $2.500000000e+00;
	v25 =	vshll.u32 v25, $0x10;
	v16 =	vld.idx.msk [tilespmem:v9+s3+$0x0], $0xffff;
	v14 =	vmin.u32 v14, $0xFFFF  }
0x41: {  	vm2 =	vgt.f32 v22, $2.500000000e+00;
	v24 =	vsel vm1, v18, v38;
	vm1 =	vgt.f32 v28, $2.500000000e+00;
	v17 =	vld.idx.msk [tilespmem:v10+s3+$0x0], $0xffff  }
0x42: {  	v31 =	vsel vm2, v31, v40;
	vm2 =	vgt.f32 v33, $2.500000000e+00;
	v26 =	vshll.u32 v24, $0x10;
	v18 =	vld.idx.msk [tilespmem:v11+s3+$0x0], $0xffff  }
0x43: {  	v32 =	vsel vm3, v32, v63;
	v20 =	vsel vm4, v20, v42;
	vm3 =	vgt.f32 v30, $2.500000000e+00;
	v19 =	vld.idx.msk [tilespmem:v12+s3+$0x0], $0xffff  }
0x44: {  	s25 =	simm.s32 $0x18040;
	vm4 =	vgt.f32 v36, $2.500000000e+00;
	v28 =	vshll.u32 v31, $0x10;
	v21 =	vsel vm5, v34, v43;
	v22 =	vld.idx.msk [tilespmem:v13+s3+$0x0], $0xffff  }
0x45: {  	s24 =	simm.s32 $0x0;
	s26 =	simm.s32 $0x100;
	s23 =	sshll.u32 s22, $0xF;
	[tilespmem:s25+$0x30] =	vst v41;
	vm5 =	vgt.f32 v23, $2.500000000e+00;
	v27 =	vshll.u32 v32, $0x10;
	v23 =	vsel vm7, v35, v44;
	v24 =	vld.idx.msk [tilespmem:v14+s3+$0x0], $0xffff  }
.LBB2_3:
0x46: {  	v29 =	vor.u32 s26, v1;
	v30 =	vor.u32 s26, v3;
	v31 =	vor.u32 s26, v5;
	s28 =	sadd.s32 $0x80, s26;
	s29 =	sadd.s32 $0xE0, s26;
	s24 =	sadd.s32 $0x8, s24  }
0x47: {  	v32 =	vor.u32 s26, v7;
	s30 =	sadd.s32 $0xA0, s26;
	s31 =	sadd.s32 $0xC0, s26;
	v33 =	vor.u32 s28, v1;
	v34 =	vor.u32 s29, v7;
	p1 =	slt.u32 s24, $0x1F8  }
0x48: {  	v35 =	vor.u32 s30, v3;
	v36 =	vor.u32 s31, v5;
	v37 =	vor.u32 s29, v6  }
0x49: {  	v38 =	vor.u32 s28, v0;
	v39 =	vor.u32 s30, v2;
	v40 =	vor.u32 s31, v4  }
0x4a: {  	v41 =	vor.u32 s26, v2;
	v42 =	vor.u32 s26, v4;
	v43 =	vor.u32 s26, v6  }
0x4b: {  	v44 =	vor.u32 s26, v0;
	v20 =	vshll.u32 v20, $0x10;
	v21 =	vshll.u32 v21, $0x10;
	v29 =	vld.idx.msk [tilespmem:v29+s13+$0x0], $0xffff  }
0x4c: {  	v23 =	vshll.u32 v23, $0x10;
	v8 =	vsel vm1, v8, v15;
	v9 =	vsel vm6, v9, v16;
	v34 =	vld.idx.msk [tilespmem:v34+s13+$0x0], $0xffff  }
0x4d: {  	v11 =	vsel vm5, v11, v18;
	v10 =	vsel vm3, v10, v17;
	v12 =	vsel vm2, v12, v19;
	v15 =	vld.idx.msk [tilespmem:v37+s13+$0x0], $0xffff  }
0x4e: {  	v8 =	vor.u32 v8, v26;
	v13 =	vsel vm4, v13, v22;
	v14 =	vsel vm0, v14, v24;
	v16 =	vld.idx.msk [tilespmem:v33+s13+$0x0], $0xffff  }
0x4f: {  	v11 =	vor.u32 v11, v25;
	v9 =	vor.u32 v9, v28;
	v10 =	vor.u32 v10, v27;
	v17 =	vld.idx.msk [tilespmem:v35+s13+$0x0], $0xffff  }
0x50: {  	v12 =	vor.u32 v12, v20;
	v13 =	vor.u32 v13, v21;
	v14 =	vor.u32 v14, v23;
	v18 =	vld.idx.msk [tilespmem:v36+s13+$0x0], $0xffff  }
0x51: {  	v19 =	vadd.s32 $0xC8001000, v29;
	vm0 =	vgt.f32 v29, $2.500000000e+00;
	v20 =	vld.idx.msk [tilespmem:v30+s13+$0x0], $0xffff;
	[tilespmem:s25+$0x0] =	vst v8  }
0x52: {  	v8 =	vshrl.u32 v19, $0xD;
	v21 =	vadd.s32 $0xC8001000, v34;
	v19 =	vld.idx.msk [tilespmem:v31+s13+$0x0], $0xffff;
	[tilespmem:s25+$0x10] =	vst v9  }
0x53: {  	v22 =	vmin.u32 v8, $0xFFFF;
	v8 =	vadd.s32 $0xC8001000, v15;
	v9 =	vshrl.u32 v21, $0xD;
	v23 =	vld.idx.msk [tilespmem:v32+s13+$0x0], $0xffff;
	[tilespmem:s25+$0x20] =	vst v10  }
0x54: {  	v10 =	vadd.s32 $0xC8001000, v16;
	v8 =	vshrl.u32 v8, $0xD;
	v24 =	vmin.u32 v9, $0xFFFF;
	v21 =	vld.idx.msk [tilespmem:v38+s13+$0x0], $0xffff;
	[tilespmem:s25+$0xFFFFFFC0] =	vst v11  }
0x55: {  	v9 =	vshrl.u32 v10, $0xD;
	v10 =	vadd.s32 $0xC8001000, v17;
	v11 =	vmin.u32 v8, $0xFFFF;
	v25 =	vld.idx.msk [tilespmem:v39+s13+$0x0], $0xffff;
	[tilespmem:s25+$0xFFFFFFD0] =	vst v12  }
0x56: {  	v26 =	vmin.u32 v9, $0xFFFF;
	v8 =	vshrl.u32 v10, $0xD;
	v9 =	vadd.s32 $0xC8001000, v18;
	v27 =	vld.idx.msk [tilespmem:v40+s13+$0x0], $0xffff;
	[tilespmem:s25+$0xFFFFFFE0] =	vst v13  }
0x57: {  	v10 =	vadd.s32 $0xC8001000, v20;
	v29 =	vmin.u32 v8, $0xFFFF;
	v8 =	vshrl.u32 v9, $0xD;
	v28 =	vld.idx.msk [tilespmem:v44+s13+$0x0], $0xffff;
	[tilespmem:s25+$0xFFFFFFF0] =	vst v14  }
0x58: {  	v9 =	vshrl.u32 v10, $0xD;
	v10 =	vadd.s32 $0xC8001000, v19;
	v31 =	vmin.u32 v8, $0xFFFF;
	v30 =	vld.idx.msk [tilespmem:v41+s13+$0x0], $0xffff  }
0x59: {  	v32 =	vmin.u32 v9, $0xFFFF;
	v8 =	vshrl.u32 v10, $0xD;
	v9 =	vadd.s32 $0xC8001000, v23;
	v10 =	vld.idx.msk [tilespmem:v24+s3+$0x0], $0xffff  }
0x5a: {  	v33 =	vmin.u32 v8, $0xFFFF;
	v8 =	vshrl.u32 v9, $0xD;
	v9 =	vadd.s32 $0xC8001000, v21;
	v12 =	vld.idx.msk [tilespmem:v11+s3+$0x0], $0xffff  }
0x5b: {  	v36 =	vmin.u32 v8, $0xFFFF;
	v8 =	vshrl.u32 v9, $0xD;
	v9 =	vadd.s32 $0xC8001000, v25;
	v35 =	vld.idx.msk [tilespmem:v42+s13+$0x0], $0xffff  }
0x5c: {  	v8 =	vmin.u32 v8, $0xFFFF;
	v9 =	vshrl.u32 v9, $0xD;
	v13 =	vadd.s32 $0xC8001000, v27;
	v37 =	vld.idx.msk [tilespmem:v43+s13+$0x0], $0xffff  }
0x5d: {  	v14 =	vadd.s32 $0xC8001000, v28;
	v9 =	vmin.u32 v9, $0xFFFF;
	v13 =	vshrl.u32 v13, $0xD;
	v38 =	vld.idx.msk [tilespmem:v26+s3+$0x0], $0xffff  }
0x5e: {  	vm1 =	vgt.f32 v34, $2.500000000e+00;
	v14 =	vshrl.u32 v14, $0xD;
	v39 =	vadd.s32 $0xC8001000, v30;
	v40 =	vld.idx.msk [tilespmem:v29+s3+$0x0], $0xffff  }
0x5f: {  	vm2 =	vgt.f32 v15, $2.500000000e+00;
	v34 =	vshrl.u32 v39, $0xD;
	v15 =	vsel vm1, v24, v10;
	v39 =	vld.idx.msk [tilespmem:v31+s3+$0x0], $0xffff  }
0x60: {  	v10 =	vmin.u32 v13, $0xFFFF;
	v12 =	vsel vm2, v11, v12;
	v13 =	vshll.u32 v15, $0x10;
	v24 =	vld.idx.msk [tilespmem:v22+s3+$0x0], $0xffff  }
0x61: {  	s25 =	sadd.s32 $0x80, s25;
	v11 =	vmin.u32 v14, $0xFFFF;
	v14 =	vadd.s32 $0xC8001000, v35;
	v13 =	vor.u32 v12, v13;
	v41 =	vld.idx.msk [tilespmem:v32+s3+$0x0], $0xffff  }
0x62: {  	v12 =	vmin.u32 v34, $0xFFFF;
	v14 =	vshrl.u32 v14, $0xD;
	v15 =	vadd.s32 $0xC8001000, v37;
	v34 =	vld.idx.msk [tilespmem:v33+s3+$0x0], $0xffff;
	[tilespmem:s25+$0x30] =	vst v13  }
0x63: {  	vm1 =	vgt.f32 v16, $2.500000000e+00;
	v13 =	vmin.u32 v14, $0xFFFF;
	v14 =	vshrl.u32 v15, $0xD;
	v42 =	vld.idx.msk [tilespmem:v36+s3+$0x0], $0xffff  }
0x64: {  	vm3 =	vgt.f32 v18, $2.500000000e+00;
	vm2 =	vgt.f32 v17, $2.500000000e+00;
	v14 =	vmin.u32 v14, $0xFFFF;
	v15 =	vld.idx.msk [tilespmem:v8+s3+$0x0], $0xffff  }
0x65: {  	vm4 =	vgt.f32 v20, $2.500000000e+00;
	vm5 =	vgt.f32 v19, $2.500000000e+00;
	vm7 =	vgt.f32 v23, $2.500000000e+00;
	v16 =	vld.idx.msk [tilespmem:v9+s3+$0x0], $0xffff  }
0x66: {  	v26 =	vsel vm1, v26, v38;
	v29 =	vsel vm2, v29, v40;
	v31 =	vsel vm3, v31, v39;
	v17 =	vld.idx.msk [tilespmem:v10+s3+$0x0], $0xffff  }
.Ltmp2:
0x67: {  	vm1 =	vgt.f32 v21, $2.500000000e+00;
	v38 =	vsel vm0, v22, v24;
	v20 =	vsel vm4, v32, v41;
	v18 =	vld.idx.msk [tilespmem:v11+s3+$0x0], $0xffff;
	(pc) =	sbr.rel @p1 .LBB2_3-.Ltmp2, $4  }
0x68: {  	vm6 =	vgt.f32 v25, $2.500000000e+00;
	vm3 =	vgt.f32 v27, $2.500000000e+00;
	v21 =	vsel vm5, v33, v34;
	v19 =	vld.idx.msk [tilespmem:v12+s3+$0x0], $0xffff  }
0x69: {  	vm2 =	vgt.f32 v30, $2.500000000e+00;
	vm5 =	vgt.f32 v28, $2.500000000e+00;
	v23 =	vsel vm7, v36, v42;
	v22 =	vld.idx.msk [tilespmem:v13+s3+$0x0], $0xffff  }
0x6a: {  	v26 =	vshll.u32 v26, $0x10;
	vm0 =	vgt.f32 v37, $2.500000000e+00;
	vm4 =	vgt.f32 v35, $2.500000000e+00;
	v24 =	vld.idx.msk [tilespmem:v14+s3+$0x0], $0xffff  }
0x6b: {  	s26 =	sadd.s32 $0x100, s26;
	v27 =	vshll.u32 v31, $0x10;
	v25 =	vshll.u32 v38, $0x10;
	v28 =	vshll.u32 v29, $0x10  }
0x6c: {  	v8 =	vsel vm1, v8, v15  }
0x6d: {  	v9 =	vsel vm6, v9, v16;
	v8 =	vor.u32 v8, v26  }
0x6e: {  	v10 =	vsel vm3, v10, v17;
	v9 =	vor.u32 v9, v28;
	[tilespmem:s25+$0x0] =	vst v8  }
0x6f: {  	v59 =	vshll.u32 v20, $0x10;
	v10 =	vor.u32 v10, v27;
	v60 =	vsel vm2, v12, v19;
	[tilespmem:s25+$0x10] =	vst v9  }
0x70: {  	p1 =	sne.s32 s22, $0x1F;
	v8 =	vsel vm5, v11, v18;
	[tilespmem:s25+$0x20] =	vst v10;
	v9 =	vor.u32 v60, v59  }
.Ltmp3:
0x71: {  	v61 =	vshll.u32 v21, $0x10;
	s24 =	sshll.u32 s22, $0xE;
	v62 =	vsel vm4, v13, v22;
	v8 =	vor.u32 v8, v25;
	[tilespmem:s25+$0xFFFFFFD0] =	vst v9;
	(pc) =	sbr.rel @p1 .LBB2_6-.Ltmp3, $4  }
0x72: {  	s24 =	sor.u32 s7, s24;
	v63 =	vsel vm0, v14, v24;
	v10 =	vor.u32 v62, v61;
	[tilespmem:s25+$0xFFFFFFC0] =	vst v8;
	v8 =	vshll.u32 v23, $0x10  }
0x73: {  	s24 =	sshrl.u32 s24, $0x3;
	[tilespmem:s25+$0xFFFFFFE0] =	vst v10;
	v8 =	vor.u32 v63, v8  }
0x74: {  	s31 =	sadd.s32 s5, s24;
	[tilespmem:s25+$0xFFFFFFF0] =	vst v8  }
0x75: {  	[hbm4b:s31+s3] =	stream.linear.scatter [tilespmem:s16], [sflag:$0x3], $0x2000, $0x38;
	[tilespmem:$0x1C000] =	vst v63  }
.Ltmp4:
0x76: {  	(pc) =	sbr.rel .LBB2_7-.Ltmp4, $4  }
0x77: {  	_ = 	snop  }
0x78: {  	_ =	swait.ge [sflag:s17], $0x4000  }
0x79: {  	[sflag:s17] =	ssyncset.done $0x0  }
0x7a: {  	[sflag:s17] =	ssyncadd.s32 $0xFFFFC000  }
.LBB2_6:
0x7b: {  	s25 =	sadd.s32 s23, s9  }
0x7c: {  	s25 =	sshrl.u32 s25, $0x3  }
.Ltmp5:
0x7d: {  	s25 =	sadd.s32 s4, s25;
	(pc) =	sbr.rel @p0 .LBB2_8-.Ltmp5, $4  }
0x7e: {  	[tilespmem:s13], [sflag:$0x1] =	stream.linear.gather [hbm4b:s25+s3], $0x4000, $0x38;
	[tilespmem:$0x1C000] =	vst v63  }
0x7f: {  	_ =	swait.ge [sflag:s17], $0x4000  }
0x80: {  	[sflag:s17] =	ssyncset.done $0x0  }
0x81: {  	[sflag:s17] =	ssyncadd.s32 $0xFFFFC000  }
.LBB2_7:
0x82: {  	_ =	swait.ge [sflag:s18], $0x2000  }
0x83: {  	[sflag:s18] =	ssyncset.done $0x0  }
0x84: {  	[sflag:s18] =	ssyncadd.s32 $0xFFFFE000  }
.LBB2_8:
0x85: {  	s25 =	simm.s32 $0x0  }
0x86: {  	s26 =	simm.s32 $0xE0;
	v8 =	vor.u32 s25, v1  }
0x87: {  	v9 =	vor.u32 s26, v7  }
0x88: {  	s28 =	simm.s32 $0x80;
	v10 =	vor.u32 s26, v6  }
0x89: {  	s31 =	simm.s32 $0xA0;
	v11 =	vor.u32 s28, v1  }
0x8a: {  	v12 =	vor.u32 s31, v3  }
0x8b: {  	v14 =	vor.u32 s25, v3;
	v8 =	vld.idx.msk [tilespmem:v8+s14+$0x0], $0xffff  }
0x8c: {  	v23 =	vor.u32 s25, v0;
	v15 =	vld.idx.msk [tilespmem:v9+s14+$0x0], $0xffff  }
0x8d: {  	s29 =	simm.s32 $0xC0;
	v20 =	vor.u32 s25, v2;
	v10 =	vld.idx.msk [tilespmem:v10+s14+$0x0], $0xffff  }
0x8e: {  	v13 =	vor.u32 s29, v5;
	v19 =	vld.idx.msk [tilespmem:v11+s14+$0x0], $0xffff  }
0x8f: {  	v16 =	vor.u32 s25, v7;
	v22 =	vld.idx.msk [tilespmem:v12+s14+$0x0], $0xffff  }
0x90: {  	v11 =	vor.u32 s29, v4;
	v25 =	vld.idx.msk [tilespmem:v14+s14+$0x0], $0xffff  }
0x91: {  	v12 =	vor.u32 s25, v6;
	v23 =	vld.idx.msk [tilespmem:v23+s14+$0x0], $0xffff  }
0x92: {  	v33 =	vld.idx.msk [tilespmem:v20+s14+$0x0], $0xffff  }
0x93: {  	v24 =	vld.idx.msk [tilespmem:v13+s14+$0x0], $0xffff  }
0x94: {  	v17 =	vor.u32 s28, v0;
	v18 =	vor.u32 s31, v2;
	v16 =	vld.idx.msk [tilespmem:v16+s14+$0x0], $0xffff  }
0x95: {  	v21 =	vor.u32 s25, v4;
	v9 =	vor.u32 s25, v5;
	v13 =	vadd.s32 $0xC8001000, v8;
	v30 =	vld.idx.msk [tilespmem:v11+s14+$0x0], $0xffff  }
0x96: {  	vm0 =	vgt.f32 v8, $2.500000000e+00;
	v11 =	vadd.s32 $0xC8001000, v25;
	v37 =	vld.idx.msk [tilespmem:v12+s14+$0x0], $0xffff;
	v12 =	vadd.s32 $0xC8001000, v23  }
0x97: {  	v39 =	vadd.s32 $0xC8001000, v33;
	vm1 =	vgt.f32 v15, $2.500000000e+00;
	vm2 =	vgt.f32 v10, $2.500000000e+00  }
0x98: {  	vm3 =	vgt.f32 v24, $2.500000000e+00;
	vm4 =	vgt.f32 v25, $2.500000000e+00;
	v8 =	vshrl.u32 v13, $0xD  }
0x99: {  	vm7 =	vgt.f32 v16, $2.500000000e+00;
	v13 =	vadd.s32 $0xC8001000, v15;
	v27 =	vmin.u32 v8, $0xFFFF  }
0x9a: {  	v26 =	vld.idx.msk [tilespmem:v9+s14+$0x0], $0xffff;
	v8 =	vadd.s32 $0xC8001000, v10;
	v9 =	vshrl.u32 v13, $0xD;
	v13 =	vadd.s32 $0xC8001000, v19  }
0x9b: {  	v29 =	vld.idx.msk [tilespmem:v18+s14+$0x0], $0xffff;
	v8 =	vshrl.u32 v8, $0xD;
	v14 =	vmin.u32 v9, $0xFFFF;
	v9 =	vshrl.u32 v13, $0xD  }
0x9c: {  	v28 =	vld.idx.msk [tilespmem:v17+s14+$0x0], $0xffff;
	v13 =	vadd.s32 $0xC8001000, v22;
	v17 =	vmin.u32 v8, $0xFFFF;
	v18 =	vmin.u32 v9, $0xFFFF  }
0x9d: {  	v36 =	vld.idx.msk [tilespmem:v21+s14+$0x0], $0xffff;
	v8 =	vshrl.u32 v13, $0xD;
	v9 =	vadd.s32 $0xC8001000, v24;
	v21 =	vadd.s32 $0xC8001000, v30  }
0x9e: {  	v31 =	vmin.u32 v8, $0xFFFF;
	v8 =	vshrl.u32 v9, $0xD;
	v21 =	vshrl.u32 v21, $0xD  }
0x9f: {  	v9 =	vshrl.u32 v11, $0xD;
	v11 =	vadd.s32 $0xC8001000, v26;
	v10 =	vmin.u32 v21, $0xFFFF;
	v21 =	vld.idx.msk [tilespmem:v27+s3+$0x0], $0xffff  }
0xa0: {  	vm6 =	vgt.f32 v29, $2.500000000e+00;
	v32 =	vmin.u32 v8, $0xFFFF;
	v8 =	vshrl.u32 v11, $0xD;
	v11 =	vld.idx.msk [tilespmem:v14+s3+$0x0], $0xffff  }
0xa1: {  	v12 =	vshrl.u32 v12, $0xD;
	v20 =	vmin.u32 v9, $0xFFFF;
	v9 =	vadd.s32 $0xC8001000, v16;
	v13 =	vld.idx.msk [tilespmem:v17+s3+$0x0], $0xffff  }
0xa2: {  	v34 =	vmin.u32 v8, $0xFFFF;
	v8 =	vshrl.u32 v9, $0xD;
	v9 =	vadd.s32 $0xC8001000, v28  }
0xa3: {  	v35 =	vmin.u32 v8, $0xFFFF;
	v8 =	vshrl.u32 v9, $0xD;
	v9 =	vadd.s32 $0xC8001000, v29;
	v38 =	vld.idx.msk [tilespmem:v18+s3+$0x0], $0xffff  }
0xa4: {  	v15 =	vshrl.u32 v39, $0xD;
	v8 =	vmin.u32 v8, $0xFFFF;
	v9 =	vshrl.u32 v9, $0xD;
	v40 =	vld.idx.msk [tilespmem:v31+s3+$0x0], $0xffff  }
0xa5: {  	vm5 =	vgt.f32 v26, $2.500000000e+00;
	v9 =	vmin.u32 v9, $0xFFFF;
	v63 =	vld.idx.msk [tilespmem:v32+s3+$0x0], $0xffff;
	v11 =	vsel vm1, v14, v11  }
0xa6: {  	v42 =	vld.idx.msk [tilespmem:v20+s3+$0x0], $0xffff;
	v27 =	vsel vm0, v27, v21;
	v13 =	vsel vm2, v17, v13;
	v14 =	vshll.u32 v11, $0x10  }
0xa7: {  	v43 =	vld.idx.msk [tilespmem:v34+s3+$0x0], $0xffff;
	v11 =	vmin.u32 v12, $0xFFFF;
	v17 =	vadd.s32 $0xC8001000, v36;
	v12 =	vmin.u32 v15, $0xFFFF  }
0xa8: {  	v44 =	vld.idx.msk [tilespmem:v35+s3+$0x0], $0xffff;
	v41 =	vor.u32 v13, v14;
	v13 =	vshrl.u32 v17, $0xD;
	v14 =	vadd.s32 $0xC8001000, v37  }
0xa9: {  	vm0 =	vgt.f32 v37, $2.500000000e+00;
	v15 =	vld.idx.msk [tilespmem:v8+s3+$0x0], $0xffff;
	v13 =	vmin.u32 v13, $0xFFFF;
	v14 =	vshrl.u32 v14, $0xD  }
0xaa: {  	vm1 =	vgt.f32 v19, $2.500000000e+00;
	vm2 =	vgt.f32 v22, $2.500000000e+00;
	v16 =	vld.idx.msk [tilespmem:v9+s3+$0x0], $0xffff;
	v14 =	vmin.u32 v14, $0xFFFF  }
0xab: {  	v25 =	vsel vm1, v18, v38;
	vm1 =	vgt.f32 v28, $2.500000000e+00;
	v31 =	vsel vm2, v31, v40;
	v17 =	vld.idx.msk [tilespmem:v10+s3+$0x0], $0xffff  }
0xac: {  	vm2 =	vgt.f32 v33, $2.500000000e+00;
	v26 =	vshll.u32 v25, $0x10;
	v25 =	vshll.u32 v27, $0x10;
	v18 =	vld.idx.msk [tilespmem:v11+s3+$0x0], $0xffff  }
0xad: {  	v32 =	vsel vm3, v32, v63;
	v20 =	vsel vm4, v20, v42;
	vm3 =	vgt.f32 v30, $2.500000000e+00;
	v19 =	vld.idx.msk [tilespmem:v12+s3+$0x0], $0xffff  }
0xae: {  	s25 =	simm.s32 $0x1A040;
	vm4 =	vgt.f32 v36, $2.500000000e+00;
	v28 =	vshll.u32 v31, $0x10;
	v21 =	vsel vm5, v34, v43;
	v22 =	vld.idx.msk [tilespmem:v13+s3+$0x0], $0xffff  }
0xaf: {  	s26 =	simm.s32 $0x0;
	s28 =	simm.s32 $0x100;
	[tilespmem:s25+$0x30] =	vst v41;
	vm5 =	vgt.f32 v23, $2.500000000e+00;
	v27 =	vshll.u32 v32, $0x10;
	v24 =	vsel vm7, v35, v44;
	v23 =	vld.idx.msk [tilespmem:v14+s3+$0x0], $0xffff  }
.LBB2_9:
0xb0: {  	v29 =	vor.u32 s28, v1;
	v30 =	vor.u32 s28, v3;
	v31 =	vor.u32 s28, v5;
	s29 =	sadd.s32 $0x80, s28;
	s30 =	sadd.s32 $0xE0, s28;
	s26 =	sadd.s32 $0x8, s26  }
0xb1: {  	v32 =	vor.u32 s28, v7;
	s31 =	sadd.s32 $0xA0, s28;
	s0 =	sadd.s32 $0xC0, s28;
	v33 =	vor.u32 s29, v1;
	v34 =	vor.u32 s30, v7;
	p0 =	slt.u32 s26, $0x1F8  }
0xb2: {  	v35 =	vor.u32 s31, v3;
	v36 =	vor.u32 s0, v5;
	v37 =	vor.u32 s30, v6  }
0xb3: {  	v38 =	vor.u32 s29, v0;
	v39 =	vor.u32 s31, v2;
	v40 =	vor.u32 s0, v4  }
0xb4: {  	v41 =	vor.u32 s28, v2;
	v42 =	vor.u32 s28, v4;
	v43 =	vor.u32 s28, v6  }
0xb5: {  	v44 =	vor.u32 s28, v0;
	v20 =	vshll.u32 v20, $0x10;
	v21 =	vshll.u32 v21, $0x10;
	v29 =	vld.idx.msk [tilespmem:v29+s14+$0x0], $0xffff  }
0xb6: {  	v24 =	vshll.u32 v24, $0x10;
	v8 =	vsel vm1, v8, v15;
	v9 =	vsel vm6, v9, v16;
	v34 =	vld.idx.msk [tilespmem:v34+s14+$0x0], $0xffff  }
0xb7: {  	v11 =	vsel vm5, v11, v18;
	v10 =	vsel vm3, v10, v17;
	v12 =	vsel vm2, v12, v19;
	v15 =	vld.idx.msk [tilespmem:v37+s14+$0x0], $0xffff  }
0xb8: {  	v8 =	vor.u32 v8, v26;
	v13 =	vsel vm4, v13, v22;
	v14 =	vsel vm0, v14, v23;
	v16 =	vld.idx.msk [tilespmem:v33+s14+$0x0], $0xffff  }
0xb9: {  	v11 =	vor.u32 v11, v25;
	v9 =	vor.u32 v9, v28;
	v10 =	vor.u32 v10, v27;
	v17 =	vld.idx.msk [tilespmem:v35+s14+$0x0], $0xffff  }
0xba: {  	v12 =	vor.u32 v12, v20;
	v13 =	vor.u32 v13, v21;
	v14 =	vor.u32 v14, v24;
	v18 =	vld.idx.msk [tilespmem:v36+s14+$0x0], $0xffff  }
0xbb: {  	v19 =	vadd.s32 $0xC8001000, v29;
	vm0 =	vgt.f32 v29, $2.500000000e+00;
	v20 =	vld.idx.msk [tilespmem:v30+s14+$0x0], $0xffff;
	[tilespmem:s25+$0x0] =	vst v8  }
0xbc: {  	v8 =	vshrl.u32 v19, $0xD;
	v21 =	vadd.s32 $0xC8001000, v34;
	v19 =	vld.idx.msk [tilespmem:v31+s14+$0x0], $0xffff;
	[tilespmem:s25+$0x10] =	vst v9  }
0xbd: {  	v22 =	vmin.u32 v8, $0xFFFF;
	v8 =	vadd.s32 $0xC8001000, v15;
	v9 =	vshrl.u32 v21, $0xD;
	v23 =	vld.idx.msk [tilespmem:v32+s14+$0x0], $0xffff;
	[tilespmem:s25+$0x20] =	vst v10  }
0xbe: {  	v10 =	vadd.s32 $0xC8001000, v16;
	v8 =	vshrl.u32 v8, $0xD;
	v24 =	vmin.u32 v9, $0xFFFF;
	v21 =	vld.idx.msk [tilespmem:v38+s14+$0x0], $0xffff;
	[tilespmem:s25+$0xFFFFFFC0] =	vst v11  }
0xbf: {  	v9 =	vshrl.u32 v10, $0xD;
	v10 =	vadd.s32 $0xC8001000, v17;
	v11 =	vmin.u32 v8, $0xFFFF;
	v25 =	vld.idx.msk [tilespmem:v39+s14+$0x0], $0xffff;
	[tilespmem:s25+$0xFFFFFFD0] =	vst v12  }
0xc0: {  	v26 =	vmin.u32 v9, $0xFFFF;
	v8 =	vshrl.u32 v10, $0xD;
	v9 =	vadd.s32 $0xC8001000, v18;
	v27 =	vld.idx.msk [tilespmem:v40+s14+$0x0], $0xffff;
	[tilespmem:s25+$0xFFFFFFE0] =	vst v13  }
0xc1: {  	v10 =	vadd.s32 $0xC8001000, v20;
	v29 =	vmin.u32 v8, $0xFFFF;
	v8 =	vshrl.u32 v9, $0xD;
	v28 =	vld.idx.msk [tilespmem:v44+s14+$0x0], $0xffff;
	[tilespmem:s25+$0xFFFFFFF0] =	vst v14  }
0xc2: {  	v9 =	vshrl.u32 v10, $0xD;
	v10 =	vadd.s32 $0xC8001000, v19;
	v31 =	vmin.u32 v8, $0xFFFF;
	v30 =	vld.idx.msk [tilespmem:v41+s14+$0x0], $0xffff  }
0xc3: {  	v32 =	vmin.u32 v9, $0xFFFF;
	v8 =	vshrl.u32 v10, $0xD;
	v9 =	vadd.s32 $0xC8001000, v23;
	v10 =	vld.idx.msk [tilespmem:v24+s3+$0x0], $0xffff  }
0xc4: {  	v33 =	vmin.u32 v8, $0xFFFF;
	v8 =	vshrl.u32 v9, $0xD;
	v9 =	vadd.s32 $0xC8001000, v21;
	v12 =	vld.idx.msk [tilespmem:v11+s3+$0x0], $0xffff  }
0xc5: {  	v36 =	vmin.u32 v8, $0xFFFF;
	v8 =	vshrl.u32 v9, $0xD;
	v9 =	vadd.s32 $0xC8001000, v25;
	v35 =	vld.idx.msk [tilespmem:v42+s14+$0x0], $0xffff  }
0xc6: {  	v8 =	vmin.u32 v8, $0xFFFF;
	v9 =	vshrl.u32 v9, $0xD;
	v13 =	vadd.s32 $0xC8001000, v27;
	v37 =	vld.idx.msk [tilespmem:v43+s14+$0x0], $0xffff  }
0xc7: {  	v14 =	vadd.s32 $0xC8001000, v28;
	v9 =	vmin.u32 v9, $0xFFFF;
	v13 =	vshrl.u32 v13, $0xD;
	v38 =	vld.idx.msk [tilespmem:v26+s3+$0x0], $0xffff  }
0xc8: {  	vm1 =	vgt.f32 v34, $2.500000000e+00;
	v14 =	vshrl.u32 v14, $0xD;
	v39 =	vadd.s32 $0xC8001000, v30;
	v40 =	vld.idx.msk [tilespmem:v29+s3+$0x0], $0xffff  }
0xc9: {  	vm2 =	vgt.f32 v15, $2.500000000e+00;
	v34 =	vshrl.u32 v39, $0xD;
	v15 =	vsel vm1, v24, v10;
	v39 =	vld.idx.msk [tilespmem:v31+s3+$0x0], $0xffff  }
0xca: {  	v10 =	vmin.u32 v13, $0xFFFF;
	v12 =	vsel vm2, v11, v12;
	v13 =	vshll.u32 v15, $0x10;
	v24 =	vld.idx.msk [tilespmem:v22+s3+$0x0], $0xffff  }
0xcb: {  	s25 =	sadd.s32 $0x80, s25;
	v11 =	vmin.u32 v14, $0xFFFF;
	v14 =	vadd.s32 $0xC8001000, v35;
	v13 =	vor.u32 v12, v13;
	v41 =	vld.idx.msk [tilespmem:v32+s3+$0x0], $0xffff  }
0xcc: {  	v12 =	vmin.u32 v34, $0xFFFF;
	v14 =	vshrl.u32 v14, $0xD;
	v15 =	vadd.s32 $0xC8001000, v37;
	v34 =	vld.idx.msk [tilespmem:v33+s3+$0x0], $0xffff;
	[tilespmem:s25+$0x30] =	vst v13  }
0xcd: {  	vm1 =	vgt.f32 v16, $2.500000000e+00;
	v13 =	vmin.u32 v14, $0xFFFF;
	v14 =	vshrl.u32 v15, $0xD;
	v42 =	vld.idx.msk [tilespmem:v36+s3+$0x0], $0xffff  }
0xce: {  	vm3 =	vgt.f32 v18, $2.500000000e+00;
	vm2 =	vgt.f32 v17, $2.500000000e+00;
	v14 =	vmin.u32 v14, $0xFFFF;
	v15 =	vld.idx.msk [tilespmem:v8+s3+$0x0], $0xffff  }
0xcf: {  	vm4 =	vgt.f32 v20, $2.500000000e+00;
	vm5 =	vgt.f32 v19, $2.500000000e+00;
	vm7 =	vgt.f32 v23, $2.500000000e+00;
	v16 =	vld.idx.msk [tilespmem:v9+s3+$0x0], $0xffff  }
0xd0: {  	v26 =	vsel vm1, v26, v38;
	v29 =	vsel vm2, v29, v40;
	v31 =	vsel vm3, v31, v39;
	v17 =	vld.idx.msk [tilespmem:v10+s3+$0x0], $0xffff  }
.Ltmp6:
0xd1: {  	vm1 =	vgt.f32 v21, $2.500000000e+00;
	v38 =	vsel vm0, v22, v24;
	v20 =	vsel vm4, v32, v41;
	v18 =	vld.idx.msk [tilespmem:v11+s3+$0x0], $0xffff;
	(pc) =	sbr.rel @p0 .LBB2_9-.Ltmp6, $4  }
0xd2: {  	vm6 =	vgt.f32 v25, $2.500000000e+00;
	vm3 =	vgt.f32 v27, $2.500000000e+00;
	v21 =	vsel vm5, v33, v34;
	v19 =	vld.idx.msk [tilespmem:v12+s3+$0x0], $0xffff  }
0xd3: {  	vm2 =	vgt.f32 v30, $2.500000000e+00;
	vm5 =	vgt.f32 v28, $2.500000000e+00;
	v24 =	vsel vm7, v36, v42;
	v22 =	vld.idx.msk [tilespmem:v13+s3+$0x0], $0xffff  }
0xd4: {  	v26 =	vshll.u32 v26, $0x10;
	vm0 =	vgt.f32 v37, $2.500000000e+00;
	vm4 =	vgt.f32 v35, $2.500000000e+00;
	v23 =	vld.idx.msk [tilespmem:v14+s3+$0x0], $0xffff  }
0xd5: {  	s28 =	sadd.s32 $0x100, s28;
	v27 =	vshll.u32 v31, $0x10;
	v25 =	vshll.u32 v38, $0x10;
	v28 =	vshll.u32 v29, $0x10  }
0xd6: {  	v8 =	vsel vm1, v8, v15  }
0xd7: {  	v9 =	vsel vm6, v9, v16;
	v8 =	vor.u32 v8, v26  }
0xd8: {  	v10 =	vsel vm3, v10, v17;
	v9 =	vor.u32 v9, v28;
	[tilespmem:s25+$0x0] =	vst v8  }
0xd9: {  	v59 =	vshll.u32 v20, $0x10;
	v10 =	vor.u32 v10, v27;
	v60 =	vsel vm2, v12, v19;
	[tilespmem:s25+$0x10] =	vst v9  }
0xda: {  	p0 =	seq.s32 s22, $0x1F;
	v8 =	vsel vm5, v11, v18;
	[tilespmem:s25+$0x20] =	vst v10;
	v9 =	vor.u32 v60, v59  }
.Ltmp7:
0xdb: {  	v61 =	vshll.u32 v21, $0x10;
	v62 =	vsel vm4, v13, v22;
	v8 =	vor.u32 v8, v25;
	[tilespmem:s25+$0xFFFFFFD0] =	vst v9;
	(pc) =	sbr.rel @p0 .LBB2_12-.Ltmp7, $4  }
0xdc: {  	v63 =	vsel vm0, v14, v23;
	v10 =	vor.u32 v62, v61;
	[tilespmem:s25+$0xFFFFFFC0] =	vst v8;
	v8 =	vshll.u32 v24, $0x10  }
0xdd: {  	s0 =	sadd.s32 s24, s5;
	[tilespmem:s25+$0xFFFFFFE0] =	vst v10;
	v8 =	vor.u32 v63, v8  }
0xde: {  	s0 =	sadd.s32 $0x400, s0;
	[tilespmem:s25+$0xFFFFFFF0] =	vst v8  }
0xdf: {  	[hbm4b:s0+s3] =	stream.linear.scatter [tilespmem:s19], [sflag:$0x4], $0x2000, $0x38;
	[tilespmem:$0x1C000] =	vst v63  }
.Ltmp8:
0xe0: {  	(pc) =	sbr.rel .LBB2_2-.Ltmp8, $4  }
0xe1: {  	s0 =	sadd.s32 s23, s10  }
0xe2: {  	s0 =	sshrl.u32 s0, $0x3  }
0xe3: {  	s22 =	sadd.s32 $0x1, s22;
	s0 =	sadd.s32 s4, s0  }
0xe4: {  	[tilespmem:s14], [sflag:$0x2] =	stream.linear.gather [hbm4b:s0+s3], $0x4000, $0x38;
	[tilespmem:$0x1C000] =	vst v63  }
.LBB2_13:
0xe5: {  	_ =	sfence.sel $0x180000  }
0xe6: {  	[bflag:$0x0] =	sbarrier.arrive $0xFFFF  }
0xe7: {  	_ =	strace $0x9000004A  }
0xe8: {  	[bflag:$0x2] =	sbarrier.arrive $0xFFFF  }
0xe9: {  	p0 =	sne.s32 s2, $0x0;
	s0 =	rddreg [dreg:$0x2]  }
0xea: {  	s0 =	sadd.s32 @!p0 $0x100000, s0  }
0xeb: {  	[sflag:s0] =	ssyncadd.tile.s32 @!p0 $0x1;
	_ =	shalt  }
.Lfunc_end2:
_tile_overlayer_lowered:
.L_overlay_start_2:
0xec: {  	(tag) =	ssettag $0x2  }
0xed: {  	s0 =	rddreg [dreg:$0x0];
	s2 =	stileid.u32  }
0xee: {  	s1 =	rddreg [dreg:$0x1];
	p0 =	sne.s32 s2, $0x0  }
0xef: {  	s3 =	rddreg [dreg:$0x2];
	[bflag:$0x3] =	sbarrier.arrive $0xFFFF;
	s2 =	simm.s32 @!p0 $0x1C05  }
0xf0: {  	[timem:s3], [sflag:s2] =	dma.local @!p0 [hbm:s0], s1  }
0xf1: {  	s0 =	simm.s32 @!p0 $0x5  }
0xf2: {  	_ =	swait.ge @!p0 [sflag:s0], s1  }
0xf3: {  	s1 =	ssub.s32 @!p0 $0x0, s1;
	[sflag:s0] =	ssyncset.done @!p0 $0x0  }
0xf4: {  	[sflag:s0] =	ssyncadd.s32 @!p0 s1  }
0xf5: {  	[bflag:$0x3] =	sbarrier.arrive $0xFFFF  }
0xf6: {  	_ =	shalt  }

// kernel: sparse-core-data-format-call.1.cloned.1.call-start
scs
called_computation.1_lowered:
.L_overlay_start_0:
0x0: {  	s2 =	sld [smem:$0x3FD9]  }
0x1: {  	s3 =	sld [smem:$0x3FFE];
	_ =	sdelay $0x1  }
0x2: {  	s1 =	srdreg.scid  }
0x3: {  	s0 =	sand.u32 $0x1, s1  }
0x4: {  	s18 =	sshll.u32 s0, $0xA;
	s2 =	sadd.s32 s3, s2  }
0x5: {  	s2 =	sadd.s32 s2, s18  }
0x6: {  	[smem:$0x3FC7] =	sst s2  }
0x7: {  	_ = 	snop  }
0x8: {  	s2 =	sld [smem:$0x3FD0];
	(tm) =	ssettm $0x1  }
0x9: {  	s19 =	sld [smem:$0x3FFB];
	_ =	sdelay $0x3  }
0xa: {  	_ =	strace s19  }
0xb: {  	s3 =	sld [smem:$0x3FFC];
	_ =	sdelay $0x3  }
0xc: {  	_ =	strace s3  }
0xd: {  	s3 =	sld [smem:$0x3FFD];
	_ =	sdelay $0x3  }
0xe: {  	_ =	strace s3  }
0xf: {  	_ =	strace $0x8FFFFFFF  }
0x10: {  	s20 =	sld [smem:$0x3FDB];
	_ =	sdelay $0x1  }
0x11: {  	s4 =	simm.s32 $_scs_section_size  }
0x12: {  	s5 =	simm.s32 $_size__tile_overlayer_lowered;
	s6 =	simm.s32 $_tile_overlayer_lowered  }
0x13: {  	s23 =	simm.s32 $0x1BFF;
	s22 =	sshll.u32 s6, $0x1;
	s3 =	sadd.s32 s4, s20  }
0x14: {  	s7 =	simm.s32 $0x0;
	s21 =	sshll.u32 s5, $0x1;
	s5 =	sadd.s32 s22, s3  }
0x15: {  	[timem:s7], [sflag:s23] =	dma.local [hbm:s5], s21  }
0x16: {  	_ =	swait.ge [sflag:s23], s21  }
0x17: {  	s4 =	ssub.s32 $0x0, s21;
	[sflag:s23] =	ssyncset.done $0x0  }
0x18: {  	[sflag:s23] =	ssyncadd.s32 s4;
	_ =	sdelay $0x1  }
0x19: {  	s24 =	simm.s32 $0x1B8B  }
0x1a: {  	_ =	swait.ge [sflag:s24], $0x1  }
0x1b: {  	[sflag:s24] =	ssyncset.done $0x0  }
0x1c: {  	s26 =	simm.s32 $0x1B8E;
	s25 =	sld [smem:$0x3FFE];
	[sflag:s24] =	ssyncadd.s32 $0xFFFFFFFF  }
0x1d: {  	s27 =	simm.s32 $execute0_lowered;
	[smem:$0x3FD2] =	sst s26  }
0x1e: {  	s5 =	sshll.u32 s27, $0x1;
	_ =	strace $0x8000004C;
	[dreg:$0x1] =	wrdreg $0xFFFFFFFF  }
0x1f: {  	s28 =	simm.s32 $_size_execute0_lowered;
	s3 =	sadd.s32 s3, s5;
	[dreg:$0x0] =	wrdreg $0x0  }
0x20: {  	s5 =	sshll.u32 s28, $0x1;
	[dreg:$0x2] =	wrdreg s3  }
0x21: {  	[dreg:$0x3] =	wrdreg s5  }
0x22: {  	[dreg:$0x4] =	wrdreg $0xC0  }
0x23: {  	_ =	task [dreg:s7], $0x5FFFF  }
0x24: {  	[dreg:$0x1] =	wrdreg $0xFFFFFFFF  }
0x25: {  	[dreg:$0x0] =	wrdreg $0x60  }
0x26: {  	[dreg:$0x2] =	wrdreg s25  }
0x27: {  	[dreg:$0x3] =	wrdreg s2  }
0x28: {  	[dreg:$0x4] =	wrdreg $0x9  }
0x29: {  	_ =	task.clear_ibuf [dreg:s7], $0x5FFFF;
	_ =	strace $0x9000004C  }
0x2a: {  	s29 =	simm.s32 $0x9;
	_ =	strace $0x8000004E  }
0x2b: {  	_ =	swait.ge [sflag:s29], $0x1  }
0x2c: {  	[sflag:s29] =	ssyncadd.s32 $0xFFFFFFFF  }
0x2d: {  	_ =	strace $0x9000004E  }
0x2e: {  	_ =	sfence  }
0x2f: {  	s30 =	sld [smem:$0x0];
	_ =	sdelay $0x2  }
0x30: {  	s31 =	sshll.u32 s1, $0xD;
	s1 =	sshrl.u32 s1, $0x2  }
0x31: {  	s3 =	sand.u32 $0x4000, s31;
	s1 =	sadd.s32 s1, s30  }
0x32: {  	s0 =	sor.u32 s3, s0;
	s1 =	sshll.u32 s1, $0x11  }
0x33: {  	s0 =	sor.u32 s1, s0  }
0x34: {  	s0 =	sadd.s32 $0x8F2B, s0  }
0x35: {  	[sflag:s0] =	ssyncadd.remote.s32 $0x1  }
0x36: {  	_ =	sfence.sel $0xFFFF  }
0x37: {  	[dreg:$0x0] =	wrdreg $0xFFFFFFFF;
	(pc) =	sbr.abs _section_cstart, $3  }
0x38: {  	[dreg:$0x1] =	wrdreg $0xFFFFFFFF  }
0x39: {  	_ =	task.clear_ibuf [dreg:s7], $0x2FFFF;
	_ =	strace $0x9FFFFFFF  }
0x3a: {  	(tm) =	ssettm $0x7FFFFFFF  }
0x3b: {  	_ =	shalt  }
tec
execute0_lowered:
.L_overlay_start_1:
0x0: {  	(tag) =	ssettag $0x1  }
0x1: {  	s0 =	stileid.u32  }
0x2: {  	s1 =	srdreg.scid;
	s5 =	rddreg [dreg:$0x0];
	s31 =	simm.s32 $0x2  }
0x3: {  	s15 =	simm.s32 $0x0;
	s2 =	sshll.u32 s0, $0x6;
	s1 =	sshll.u32 s1, $0xA  }
0x4: {  	s9 =	simm.s32 $0x2000;
	s14 =	simm.s32 $0x0;
	s1 =	sor.u32 s2, s1  }
0x5: {  	s16 =	simm.s32 $0x0;
	s10 =	simm.s32 $0x0;
	s1 =	sand.u32 $0x780, s1  }
0x6: {  	s13 =	simm.s32 $0x0;
	s2 =	sand.u32 $0x1, s0;
	s3 =	ssub.s32 $0x1000, s1  }
0x7: {  	s5 =	sadd.s32 $0x1200, s5;
	s4 =	ssub.s32 $0x2, s2;
	s6 =	sand.u32 $0x780, s3  }
0x8: {  	s7 =	sshrl.u32 s4, $0x1;
	p0 =	sne.s32 s6, $0x0;
	s6 =	simm.s32 $0x1  }
0x9: {  	s8 =	sand.u32 $0x1, s4;
	s3 =	sshrl.u32 s3, $0xB;
	s6 =	simm.s32 @!p0 $0x0  }
.Ltmp0:
0xa: {  	s7 =	sadd.s32 s8, s7;
	s6 =	sadd.s32 s6, s3;
	(pc) =	sbr.rel .LBB1_1-.Ltmp0, $4  }
0xb: {  	s12 =	smov.u32 s2;
	s4 =	rddreg [dreg:$0x1];
	s7 =	smul.u32 s6, s7  }
0xc: {  	s3 =	rddreg [dreg:$0x2];
	_ =	strace $0x8000004D;
	s6 =	simm.s32 $0x1  }
0xd: {  	s11 =	smov.u32 s1;
	[sflag:s6] =	ssyncpa.u1 $0x0;
	s7 =	sshll.u32 s7, $0x4  }
0xe: {  	p0 =	por $0x0, $0x0;
	[sflag:s31] =	ssyncpa.u1 $0x0;
	s8 =	sor.u32 $0x1, s7  }
.LBB1_4:
0xf: {  	v5 =	vld [tilespmem:s20+$0xFFFFFFD0];
	[tilespmem:s19+$0x2040 ss:$0x81] =	vst.msk $0xffff, v1  }
0x10: {  	v58 =	vld [tilespmem:s20+$0xFFFFFFE0];
	[tilespmem:s19+$0x2850 ss:$0x81] =	vst.msk $0xffff, v2  }
0x11: {  	s21 =	sshra.s32 s21, $0x2;
	v59 =	vld [tilespmem:s20+$0xFFFFFFF0];
	[tilespmem:s19+$0x3060 ss:$0x81] =	vst.msk $0xffff, v3  }
0x12: {  	v60 =	vld [tilespmem:s20+$0x0];
	[tilespmem:s19+$0x0 ss:$0x81] =	vst.msk $0xffff, v0;
	s18 =	sadd.s32 s21, s18  }
0x13: {  	v61 =	vld [tilespmem:s20+$0x10];
	[tilespmem:s18+$0x3870 ss:$0x81] =	vst.msk $0xffff, v4  }
0x14: {  	v62 =	vld [tilespmem:s20+$0x20];
	[tilespmem:s18+$0x810 ss:$0x81] =	vst.msk $0xffff, v5  }
0x15: {  	s16 =	sshll.u32 s16, $0x7;
	v63 =	vld [tilespmem:s20+$0xFFFFFFC0];
	s28 =	sand.u32 $0x78, s14;
	s29 =	sshll.u32 s14, $0x1;
	[tilespmem:s18+$0x1020 ss:$0x81] =	vst.msk $0xffff, v58  }
0x16: {  	s15 =	sshll.u32 s15, $0xA;
	s30 =	sshrl.u32 s14, $0x2;
	s16 =	sand.u32 $0x80, s16;
	[tilespmem:s18+$0x1830 ss:$0x81] =	vst.msk $0xffff, v59  }
0x17: {  	s31 =	sand.u32 $0x7, s14;
	s20 =	sand.u32 $0xF00, s29;
	s16 =	sor.u32 s16, s28;
	[tilespmem:s18+$0x2040 ss:$0x81] =	vst.msk $0xffff, v60  }
0x18: {  	s19 =	sand.u32 $0x200, s30;
	s15 =	sadd.s32 s4, s15;
	s16 =	sor.u32 s20, s16;
	[tilespmem:s18+$0x2850 ss:$0x81] =	vst.msk $0xffff, v61  }
0x19: {  	s14 =	sshll.u32 s31, $0x12;
	s15 =	sadd.s32 s19, s15;
	s16 =	sshrl.u32 s16, $0x3;
	[tilespmem:s18+$0x3060 ss:$0x81] =	vst.msk $0xffff, v62  }
0x1a: {  	s14 =	sor.u32 $0x80, s14;
	[tilespmem:s18+$0x0 ss:$0x81] =	vst.msk $0xffff, v63;
	s15 =	sadd.s32 s16, s15  }
0x1b: {  	[hbm4b:s15+s14] =	stream.strided.scatter [tilespmem:s17], [sflag:$0x2], $0x4000, s9, s14, $0x20;
	[tilespmem:$0x10100] =	vst v63  }
.LBB1_5:
0x1c: {  	s17 =	sadd.s32 $0x80, s10  }
0x1d: {  	s14 =	sadd.s32 $0x800, s11;
	s18 =	smov.u32 s11;
	p2 =	sgt.s32 s17, $0x7FF  }
0x1e: {  	s18 =	smov.u32 @p2 s14  }
0x1f: {  	s20 =	smov.u32 s12;
	s14 =	sadd.s32 $0x2, s12;
	p3 =	sgt.s32 s18, $0xFFF  }
0x20: {  	s20 =	smov.u32 @p3 s14  }
0x21: {  	s17 =	simm.s32 @p2 $0x0;
	p2 =	sgt.s32 s20, $0x1  }
0x22: {  	p1 =	slt.u32 s13, $0x2;
	s20 =	smov.u32 @p2 s2;
	p2 =	sne.s32 s13, s8  }
.Ltmp1:
0x23: {  	s19 =	simm.s32 @!p1 $0x2;
	(pc) =	sbr.rel @!p2 .LBB1_6-.Ltmp1, $4  }
0x24: {  	s15 =	smov.u32 s10;
	s16 =	smov.u32 s12;
	_ =	swait.ge @!p1 [sflag:s19], $0x4000  }
0x25: {  	p0 =	por !p0, !p0;
	[sflag:s19] =	ssyncset.done @!p1 $0x0;
	s10 =	smov.u32 s17  }
0x26: {  	s18 =	smov.u32 @p3 s1;
	s14 =	smov.u32 s11;
	[sflag:s19] =	ssyncadd.s32 @!p1 $0xFFFFC000  }
0x27: {  	s11 =	smov.u32 s18;
	s13 =	sadd.s32 $0x1, s13;
	s12 =	smov.u32 s20  }
.LBB1_1:
0x28: {  	p1 =	sge.u32 s13, s7;
	s31 =	sadd.s32 $0xFFFFFFFF, s13  }
0x29: {  	s17 =	sxor.u32 @!p1 $0xFFFFFFFF, s13;
	s18 =	sand.u32 @!p1 $0x78, s10;
	s19 =	sshll.u32 @!p1 s11, $0xB  }
0x2a: {  	s20 =	sshll.u32 @!p1 s11, $0x7;
	s21 =	sshll.u32 @!p1 s10, $0x3;
	s17 =	sshll.u32 @!p1 s17, $0xE  }
0x2b: {  	s19 =	sand.u32 @!p1 $0x7FC000, s19;
	s20 =	sand.u32 @!p1 $0x380, s20;
	s17 =	sand.u32 @!p1 $0x4000, s17  }
0x2c: {  	s19 =	sadd.s32 @!p1 s19, s21;
	s21 =	sand.u32 @!p1 $0x400, s21;
	s18 =	sor.u32 @!p1 s20, s18  }
0x2d: {  	s20 =	sshll.u32 @!p1 s12, $0x14;
	s18 =	sor.u32 @!p1 s21, s18;
	s19 =	sshrl.u32 @!p1 s19, $0x3  }
0x2e: {  	s20 =	sadd.s32 @!p1 s5, s20;
	s21 =	sand.u32 @!p1 $0x7, s10;
	s19 =	sand.u32 @!p1 $0xFFF00, s19  }
0x2f: {  	s18 =	sshrl.u32 @!p1 s18, $0x3;
	s19 =	sadd.s32 @!p1 s19, s20;
	s20 =	sshll.u32 @!p1 s21, $0x12  }
0x30: {  	s18 =	sadd.s32 @!p1 s18, s19;
	s19 =	sor.u32 @!p1 $0x400, s20;
	s20 =	simm.s32 @!p1 $0x4000  }
0x31: {  	[tilespmem:s17], [sflag:$0x1] =	stream.strided.gather @!p1 [hbm4b:s18+s19], $0x4000, s20, s19, $0x38;
	[tilespmem:$0x10100] =	vst v63  }
0x32: {  	p1 =	sge.u32 s31, s7  }
.Ltmp2:
0x33: {  	_ = 	snop;
	(pc) =	sbr.rel @p1 .LBB1_5-.Ltmp2, $1  }
0x34: {  	_ =	sdelay $0x3  }
0x35: {  	s17 =	simm.s32 $0x1  }
0x36: {  	_ =	swait.ge [sflag:s6], $0x4000;
	s17 =	simm.s32 @!p0 $0x0  }
0x37: {  	[sflag:s6] =	ssyncset.done $0x0;
	s18 =	sshll.u32 s17, $0xE  }
0x38: {  	[sflag:s6] =	ssyncadd.s32 $0xFFFFC000;
	s20 =	sor.u32 $0x40, s18  }
0x39: {  	s17 =	smul.u32 $0x10200, s17;
	v0 =	vld [tilespmem:s20+$0x30]  }
0x3a: {  	v3 =	vld [tilespmem:s20+$0xFFFFFFD0]  }
0x3b: {  	s17 =	sshrl.u32 s17, $0x2;
	v4 =	vld [tilespmem:s20+$0xFFFFFFE0]  }
0x3c: {  	v5 =	vld [tilespmem:s20+$0xFFFFFFF0];
	s18 =	sor.u32 $0x8000, s17  }
0x3d: {  	s31 =	sand.u32 $0x1, s13;
	v1 =	vld [tilespmem:s20+$0x0];
	s19 =	sadd.s32 $0x0, s18  }
0x3e: {  	v2 =	vld [tilespmem:s20+$0x10];
	s17 =	smul.u32 $0x10200, s31;
	[tilespmem:s19+$0x3870 ss:$0x81] =	vst.msk $0xffff, v0  }
0x3f: {  	[tilespmem:s19+$0x810 ss:$0x81] =	vst.msk $0xffff, v3;
	v3 =	vld [tilespmem:s20+$0x20]  }
0x40: {  	s17 =	sshrl.u32 s17, $0x2;
	v0 =	vld [tilespmem:s20+$0xFFFFFFC0];
	[tilespmem:s19+$0x1020 ss:$0x81] =	vst.msk $0xffff, v4;
	s20 =	sadd.s32 $0x80, s20  }
0x41: {  	s21 =	simm.s32 $0x4;
	s22 =	simm.s32 $0x8;
	s17 =	sor.u32 $0x8000, s17;
	[tilespmem:s19+$0x1830 ss:$0x81] =	vst.msk $0xffff, v5;
	v4 =	vld [tilespmem:s20+$0x30]  }
.LBB1_3:
0x42: {  	p1 =	sne.s32 s22, $0x1FC;
	v5 =	vld [tilespmem:s20+$0xFFFFFFD0];
	[tilespmem:s19+$0x2040 ss:$0x81] =	vst.msk $0xffff, v1  }
0x43: {  	v6 =	vld [tilespmem:s20+$0xFFFFFFE0];
	[tilespmem:s19+$0x2850 ss:$0x81] =	vst.msk $0xffff, v2  }
0x44: {  	s23 =	sshra.s32 s21, $0x2;
	s21 =	smov.u32 s22;
	v7 =	vld [tilespmem:s20+$0xFFFFFFF0];
	[tilespmem:s19+$0x3060 ss:$0x81] =	vst.msk $0xffff, v3  }
.Ltmp3:
0x45: {  	v1 =	vld [tilespmem:s20+$0x0];
	[tilespmem:s19+$0x0 ss:$0x81] =	vst.msk $0xffff, v0;
	s19 =	sadd.s32 s23, s18;
	(pc) =	sbr.rel @p1 .LBB1_3-.Ltmp3, $4  }
0x46: {  	v2 =	vld [tilespmem:s20+$0x10];
	[tilespmem:s19+$0x3870 ss:$0x81] =	vst.msk $0xffff, v4  }
0x47: {  	[tilespmem:s19+$0x810 ss:$0x81] =	vst.msk $0xffff, v5;
	v3 =	vld [tilespmem:s20+$0x20]  }
0x48: {  	v0 =	vld [tilespmem:s20+$0xFFFFFFC0];
	[tilespmem:s19+$0x1020 ss:$0x81] =	vst.msk $0xffff, v6;
	s20 =	sadd.s32 $0x80, s20  }
0x49: {  	s22 =	sadd.s32 $0x4, s22;
	v4 =	vld [tilespmem:s20+$0x30];
	[tilespmem:s19+$0x1830 ss:$0x81] =	vst.msk $0xffff, v7  }
.Ltmp4:
0x4a: {  	_ = 	snop;
	(pc) =	sbr.rel .LBB1_4-.Ltmp4, $1  }
0x4b: {  	_ =	sdelay $0x3  }
.LBB1_6:
0x4c: {  	_ =	sfence.sel $0x180000  }
0x4d: {  	s1 =	simm.s32 $0x1;
	[bflag:$0x0] =	sbarrier.arrive $0xFFFF  }
0x4e: {  	s31 =	simm.s32 $0x2;
	[sflag:s1] =	ssyncpa.u1 $0x1  }
0x4f: {  	[sflag:s31] =	ssyncpa.u1 $0x1  }
0x50: {  	p0 =	sne.s32 s0, $0x0;
	_ =	strace $0x9000004D  }
0x51: {  	s0 =	sadd.s32 @!p0 $0x100000, s3;
	[bflag:$0x2] =	sbarrier.arrive $0xFFFF  }
0x52: {  	[sflag:s0] =	ssyncadd.tile.s32 @!p0 $0x1;
	_ =	shalt  }
.Lfunc_end1:
_tile_overlayer_lowered:
.L_overlay_start_2:
0x53: {  	(tag) =	ssettag $0x2  }
0x54: {  	s0 =	rddreg [dreg:$0x0];
	s2 =	stileid.u32  }
0x55: {  	s1 =	rddreg [dreg:$0x1];
	p0 =	sne.s32 s2, $0x0  }
0x56: {  	s3 =	rddreg [dreg:$0x2];
	[bflag:$0x3] =	sbarrier.arrive $0xFFFF;
	s2 =	simm.s32 @!p0 $0x1C01  }
0x57: {  	[timem:s3], [sflag:s2] =	dma.local @!p0 [hbm:s0], s1  }
0x58: {  	s0 =	simm.s32 @!p0 $0x1  }
0x59: {  	_ =	swait.ge @!p0 [sflag:s0], s1  }
0x5a: {  	s1 =	ssub.s32 @!p0 $0x0, s1;
	[sflag:s0] =	ssyncset.done @!p0 $0x0  }
0x5b: {  	[sflag:s0] =	ssyncadd.s32 @!p0 s1  }
0x5c: {  	[bflag:$0x3] =	sbarrier.arrive $0xFFFF  }
0x5d: {  	_ =	shalt  }

// kernel: sparse-core-data-format-call.2.cloned.1.call-start
scs
called_computation.2_lowered:
.L_overlay_start_0:
0x0: {  	s2 =	sld [smem:$0x3FD9]  }
0x1: {  	s3 =	sld [smem:$0x3FFE];
	_ =	sdelay $0x1  }
0x2: {  	s1 =	srdreg.scid  }
0x3: {  	s0 =	sand.u32 $0x1, s1  }
0x4: {  	s18 =	sshll.u32 s0, $0xA;
	s2 =	sadd.s32 s3, s2  }
0x5: {  	s2 =	sadd.s32 s2, s18  }
0x6: {  	[smem:$0x3FC7] =	sst s2  }
0x7: {  	_ = 	snop  }
0x8: {  	s2 =	sld [smem:$0x3FC9];
	(tm) =	ssettm $0x1  }
0x9: {  	s19 =	sld [smem:$0x3FFB];
	_ =	sdelay $0x3  }
0xa: {  	_ =	strace s19  }
0xb: {  	s3 =	sld [smem:$0x3FFC];
	_ =	sdelay $0x3  }
0xc: {  	_ =	strace s3  }
0xd: {  	s3 =	sld [smem:$0x3FFD];
	_ =	sdelay $0x3  }
0xe: {  	_ =	strace s3  }
0xf: {  	_ =	strace $0x8FFFFFFF  }
0x10: {  	s20 =	sld [smem:$0x3FDB];
	_ =	sdelay $0x1  }
0x11: {  	s4 =	simm.s32 $_scs_section_size  }
0x12: {  	s5 =	simm.s32 $_size__tile_overlayer_lowered;
	s6 =	simm.s32 $_tile_overlayer_lowered  }
0x13: {  	s23 =	simm.s32 $0x1BFF;
	s22 =	sshll.u32 s6, $0x1;
	s3 =	sadd.s32 s4, s20  }
0x14: {  	s7 =	simm.s32 $0x0;
	s21 =	sshll.u32 s5, $0x1;
	s5 =	sadd.s32 s22, s3  }
0x15: {  	[timem:s7], [sflag:s23] =	dma.local [hbm:s5], s21  }
0x16: {  	_ =	swait.ge [sflag:s23], s21  }
0x17: {  	s4 =	ssub.s32 $0x0, s21;
	[sflag:s23] =	ssyncset.done $0x0  }
0x18: {  	[sflag:s23] =	ssyncadd.s32 s4;
	_ =	sdelay $0x1  }
0x19: {  	s24 =	simm.s32 $0x1B8B  }
0x1a: {  	_ =	swait.ge [sflag:s24], $0x1  }
0x1b: {  	[sflag:s24] =	ssyncset.done $0x0  }
0x1c: {  	s26 =	simm.s32 $0x1B8E;
	s25 =	sld [smem:$0x3FFE];
	[sflag:s24] =	ssyncadd.s32 $0xFFFFFFFF  }
0x1d: {  	s27 =	simm.s32 $execute0_lowered;
	[smem:$0x3FD2] =	sst s26  }
0x1e: {  	s5 =	sshll.u32 s27, $0x1;
	_ =	strace $0x80000046;
	[dreg:$0x1] =	wrdreg $0xFFFFFFFF  }
0x1f: {  	s28 =	simm.s32 $_size_execute0_lowered;
	s3 =	sadd.s32 s3, s5;
	[dreg:$0x0] =	wrdreg $0x0  }
0x20: {  	s5 =	sshll.u32 s28, $0x1;
	[dreg:$0x2] =	wrdreg s3  }
0x21: {  	[dreg:$0x3] =	wrdreg s5  }
0x22: {  	[dreg:$0x4] =	wrdreg $0xC0  }
0x23: {  	_ =	task [dreg:s7], $0x5FFFF  }
0x24: {  	[dreg:$0x1] =	wrdreg $0xFFFFFFFF  }
0x25: {  	[dreg:$0x0] =	wrdreg $0x60  }
0x26: {  	[dreg:$0x2] =	wrdreg s2  }
0x27: {  	[dreg:$0x3] =	wrdreg s25  }
0x28: {  	[dreg:$0x4] =	wrdreg $0x9  }
0x29: {  	_ =	task.clear_ibuf [dreg:s7], $0x5FFFF;
	_ =	strace $0x90000046  }
0x2a: {  	s29 =	simm.s32 $0x9;
	_ =	strace $0x80000048  }
0x2b: {  	_ =	swait.ge [sflag:s29], $0x1  }
0x2c: {  	[sflag:s29] =	ssyncadd.s32 $0xFFFFFFFF  }
0x2d: {  	_ =	strace $0x90000048  }
0x2e: {  	_ =	sfence  }
0x2f: {  	s30 =	sld [smem:$0x0];
	_ =	sdelay $0x2  }
0x30: {  	s31 =	sshll.u32 s1, $0xD;
	s1 =	sshrl.u32 s1, $0x2  }
0x31: {  	s3 =	sand.u32 $0x4000, s31;
	s1 =	sadd.s32 s1, s30  }
0x32: {  	s0 =	sor.u32 s3, s0;
	s1 =	sshll.u32 s1, $0x11  }
0x33: {  	s0 =	sor.u32 s1, s0  }
0x34: {  	s0 =	sadd.s32 $0x8F2B, s0  }
0x35: {  	[sflag:s0] =	ssyncadd.remote.s32 $0x1  }
0x36: {  	_ =	sfence.sel $0xFFFF  }
0x37: {  	[dreg:$0x0] =	wrdreg $0xFFFFFFFF;
	(pc) =	sbr.abs _section_cstart, $3  }
0x38: {  	[dreg:$0x1] =	wrdreg $0xFFFFFFFF  }
0x39: {  	_ =	task.clear_ibuf [dreg:s7], $0x2FFFF;
	_ =	strace $0x9FFFFFFF  }
0x3a: {  	(tm) =	ssettm $0x7FFFFFFF  }
0x3b: {  	_ =	shalt  }
tec
execute0_lowered:
.L_overlay_start_1:
0x0: {  	(tag) =	ssettag $0x1  }
0x1: {  	s2 =	rddreg [dreg:$0x0]  }
0x2: {  	s1 =	rddreg [dreg:$0x1]  }
0x3: {  	s0 =	rddreg [dreg:$0x2];
	_ =	strace $0x80000047;
	s4 =	srdreg.scid  }
0x4: {  	s6 =	simm.s32 $0x2;
	s11 =	simm.s32 $0x0;
	p0 =	por $0x0, $0x0  }
.Ltmp0:
0x5: {  	s7 =	simm.s32 $0x1000;
	s12 =	simm.s32 $0x0;
	(pc) =	sbr.rel .LBB1_1-.Ltmp0, $4  }
0x6: {  	s9 =	simm.s32 $0x0;
	s3 =	sadd.s32 $0x1200, s1;
	s5 =	sshll.u32 s4, $0x4  }
0x7: {  	s1 =	stileid.u32;
	s4 =	simm.s32 $0x1;
	s5 =	sand.u32 $0x10, s5  }
0x8: {  	s8 =	simm.s32 $0x0;
	[sflag:s4] =	ssyncpa.u1 $0x0;
	s5 =	sor.u32 s1, s5  }
0x9: {  	[sflag:s6] =	ssyncpa.u1 $0x0;
	s6 =	simm.s32 $0x800;
	s10 =	smov.u32 s5  }
.LBB1_7:
0xa: {  	s13 =	sadd.s32 $0x10, s9  }
0xb: {  	s11 =	sadd.s32 $0x20, s10;
	s15 =	smov.u32 s10;
	p2 =	sgt.s32 s13, $0x1F  }
0xc: {  	p1 =	slt.u32 s8, $0x2;
	s15 =	smov.u32 @p2 s11  }
0xd: {  	s8 =	sadd.s32 $0x1, s8;
	s13 =	simm.s32 @p2 $0x0;
	p2 =	sgt.s32 s15, $0x3FF  }
0xe: {  	s15 =	smov.u32 @p2 s5;
	p2 =	sne.s32 s8, $0x42  }
.Ltmp1:
0xf: {  	_ = 	snop;
	(pc) =	sbr.rel @!p2 .LBB1_8-.Ltmp1, $4  }
0x10: {  	s14 =	simm.s32 @!p1 $0x2  }
0x11: {  	s12 =	smov.u32 s10;
	_ =	swait.ge @!p1 [sflag:s14], $0x4000  }
0x12: {  	p0 =	por !p0, !p0;
	s11 =	smov.u32 s9;
	[sflag:s14] =	ssyncset.done @!p1 $0x0  }
0x13: {  	s9 =	smov.u32 s13;
	[sflag:s14] =	ssyncadd.s32 @!p1 $0xFFFFC000;
	s10 =	smov.u32 s15  }
.LBB1_1:
0x14: {  	p1 =	sgt.u32 s8, $0x3F  }
0x15: {  	s13 =	sxor.u32 @!p1 $0xFFFFFFFF, s8;
	s14 =	sshll.u32 @!p1 s10, $0xC  }
0x16: {  	s15 =	sshll.u32 @!p1 s9, $0x7;
	s13 =	sshll.u32 @!p1 s13, $0xE;
	s14 =	sadd.s32 @!p1 s2, s14  }
0x17: {  	s13 =	sand.u32 @!p1 $0x4000, s13;
	s14 =	sadd.s32 @!p1 s15, s14;
	s15 =	simm.s32 @!p1 $0x0  }
0x18: {  	[tilespmem:s13], [sflag:$0x1] =	stream.linear.gather @!p1 [hbm4b:s14+s15], $0x4000, $0x38;
	[tilespmem:$0x10000] =	vst v63  }
0x19: {  	p1 =	seq.s32 s8, $0x0  }
0x1a: {  	p2 =	seq.s32 @!p1 s8, $0x41  }
0x1b: {  	p1 =	por p1, p2  }
.Ltmp2:
0x1c: {  	_ = 	snop;
	(pc) =	sbr.rel @p1 .LBB1_7-.Ltmp2, $1  }
0x1d: {  	_ =	sdelay $0x3  }
0x1e: {  	s13 =	simm.s32 $0x1;
	_ =	swait.ge [sflag:s4], $0x4000;
	s16 =	sshll.u32 s8, $0xE  }
0x1f: {  	s13 =	simm.s32 @!p0 $0x0;
	[sflag:s4] =	ssyncset.done $0x0;
	s31 =	sand.u32 $0x4000, s16  }
0x20: {  	s16 =	simm.s32 $0x0;
	s14 =	sshll.u32 s13, $0xE;
	[sflag:s4] =	ssyncadd.s32 $0xFFFFC000  }
0x21: {  	s13 =	sor.u32 $0x8040, s14;
	s15 =	sor.u32 $0x40, s14;
	s14 =	sor.u32 $0x8000, s31  }
.LBB1_3:
0x22: {  	v0 =	vmov s15;
	_ =	sdelay $0x3  }
0x23: {  	s18 =	simm.s32 $0x0  }
0x24: {  	v6 =	vld.idx.msk [tilespmem:v0+s18+$0x30 ss:$0x1], $0xffff  }
0x25: {  	v7 =	vld.idx.msk [tilespmem:v0+s18+$0xFFFFFFC0 ss:$0x1], $0xffff  }
0x26: {  	v5 =	vld.idx.msk [tilespmem:v0+s18+$0xFFFFFFD0 ss:$0x1], $0xffff  }
0x27: {  	v4 =	vld.idx.msk [tilespmem:v0+s18+$0xFFFFFFE0 ss:$0x1], $0xffff  }
0x28: {  	v3 =	vld.idx.msk [tilespmem:v0+s18+$0xFFFFFFF0 ss:$0x1], $0xffff  }
0x29: {  	v1 =	vld.idx.msk [tilespmem:v0+s18+$0x0 ss:$0x1], $0xffff  }
0x2a: {  	v2 =	vld.idx.msk [tilespmem:v0+s18+$0x10 ss:$0x1], $0xffff;
	[tilespmem:s13+$0x30] =	vst v6  }
0x2b: {  	s17 =	simm.s32 $0x80;
	s19 =	simm.s32 $0x400;
	[tilespmem:s13+$0xFFFFFFC0] =	vst v7;
	v6 =	vld.idx.msk [tilespmem:v0+s18+$0x20 ss:$0x1], $0xffff;
	s18 =	smov.u32 s13  }
.LBB1_4:
0x2c: {  	p1 =	sne.s32 s19, $0xE00;
	v7 =	vld.idx.msk [tilespmem:v0+s17+$0x30 ss:$0x1], $0xffff;
	[tilespmem:s18+$0xFFFFFFD0] =	vst v5  }
0x2d: {  	v8 =	vld.idx.msk [tilespmem:v0+s17+$0xFFFFFFC0 ss:$0x1], $0xffff;
	[tilespmem:s18+$0xFFFFFFE0] =	vst v4  }
0x2e: {  	v5 =	vld.idx.msk [tilespmem:v0+s17+$0xFFFFFFD0 ss:$0x1], $0xffff;
	[tilespmem:s18+$0xFFFFFFF0] =	vst v3  }
.Ltmp3:
0x2f: {  	v4 =	vld.idx.msk [tilespmem:v0+s17+$0xFFFFFFE0 ss:$0x1], $0xffff;
	[tilespmem:s18+$0x0] =	vst v1;
	(pc) =	sbr.rel @p1 .LBB1_4-.Ltmp3, $4  }
0x30: {  	v3 =	vld.idx.msk [tilespmem:v0+s17+$0xFFFFFFF0 ss:$0x1], $0xffff;
	[tilespmem:s18+$0x10] =	vst v2  }
0x31: {  	v1 =	vld.idx.msk [tilespmem:v0+s17+$0x0 ss:$0x1], $0xffff;
	[tilespmem:s18+$0x20] =	vst v6;
	s18 =	sadd.s32 $0x800, s18  }
0x32: {  	v2 =	vld.idx.msk [tilespmem:v0+s17+$0x10 ss:$0x1], $0xffff;
	[tilespmem:s18+$0x30] =	vst v7  }
0x33: {  	[tilespmem:s18+$0xFFFFFFC0] =	vst v8;
	v6 =	vld.idx.msk [tilespmem:v0+s17+$0x20 ss:$0x1], $0xffff;
	s17 =	sshra.s32 s19, $0x2;
	s19 =	sadd.s32 $0x200, s19  }
0x34: {  	_ =	sdelay $0x2  }
0x35: {  	[tilespmem:s18+$0xFFFFFFD0] =	vst v5  }
0x36: {  	v56 =	vld.idx.msk [tilespmem:v0+s17+$0x30 ss:$0x1], $0xffff;
	[tilespmem:s18+$0xFFFFFFE0] =	vst v4  }
0x37: {  	v57 =	vld.idx.msk [tilespmem:v0+s17+$0xFFFFFFC0 ss:$0x1], $0xffff;
	[tilespmem:s18+$0xFFFFFFF0] =	vst v3  }
0x38: {  	v58 =	vld.idx.msk [tilespmem:v0+s17+$0xFFFFFFD0 ss:$0x1], $0xffff;
	[tilespmem:s18+$0x0] =	vst v1  }
0x39: {  	v59 =	vld.idx.msk [tilespmem:v0+s17+$0xFFFFFFE0 ss:$0x1], $0xffff;
	[tilespmem:s18+$0x10] =	vst v2  }
0x3a: {  	v60 =	vld.idx.msk [tilespmem:v0+s17+$0xFFFFFFF0 ss:$0x1], $0xffff;
	s31 =	sadd.s32 $0x800, s18;
	[tilespmem:s18+$0x20] =	vst v6  }
0x3b: {  	v61 =	vld.idx.msk [tilespmem:v0+s17+$0x0 ss:$0x1], $0xffff;
	[tilespmem:s31+$0x30] =	vst v56  }
0x3c: {  	v62 =	vld.idx.msk [tilespmem:v0+s17+$0x10 ss:$0x1], $0xffff;
	s16 =	sadd.s32 $0x1, s16;
	[tilespmem:s31+$0xFFFFFFC0] =	vst v57  }
0x3d: {  	v63 =	vld.idx.msk [tilespmem:v0+s17+$0x20 ss:$0x1], $0xffff;
	p1 =	sne.s32 s16, $0x10;
	[tilespmem:s31+$0xFFFFFFD0] =	vst v58  }
.Ltmp4:
0x3e: {  	[tilespmem:s31+$0xFFFFFFE0] =	vst v59;
	(pc) =	sbr.rel @p1 .LBB1_3-.Ltmp4, $4  }
0x3f: {  	[tilespmem:s31+$0xFFFFFFF0] =	vst v60  }
0x40: {  	[tilespmem:s31+$0x0] =	vst v61  }
0x41: {  	[tilespmem:s31+$0x10] =	vst v62  }
0x42: {  	s13 =	sadd.s32 $0x80, s13;
	s15 =	sadd.s32 $0x400, s15;
	[tilespmem:s31+$0x20] =	vst v63  }
.Ltmp5:
0x43: {  	(pc) =	sbr.rel .LBB1_7-.Ltmp5, $4  }
0x44: {  	s12 =	sshll.u32 s12, $0xC;
	s11 =	sshll.u32 s11, $0x4  }
0x45: {  	s11 =	sand.u32 $0x1F0, s11;
	s12 =	sadd.s32 s3, s12  }
0x46: {  	s11 =	sadd.s32 s11, s12  }
0x47: {  	[hbm4b:s11+s6] =	stream.strided.scatter [tilespmem:s14], [sflag:$0x2], $0x4000, s7, s6, $0x38;
	[tilespmem:$0x10000] =	vst v63  }
.LBB1_8:
0x48: {  	_ =	sfence.sel $0x180000  }
0x49: {  	s2 =	simm.s32 $0x1;
	[bflag:$0x0] =	sbarrier.arrive $0xFFFF  }
0x4a: {  	s31 =	simm.s32 $0x2;
	[sflag:s2] =	ssyncpa.u1 $0x1  }
0x4b: {  	[sflag:s31] =	ssyncpa.u1 $0x1  }
0x4c: {  	p0 =	sne.s32 s1, $0x0;
	_ =	strace $0x90000047  }
0x4d: {  	s0 =	sadd.s32 @!p0 $0x100000, s0;
	[bflag:$0x2] =	sbarrier.arrive $0xFFFF  }
0x4e: {  	[sflag:s0] =	ssyncadd.tile.s32 @!p0 $0x1;
	_ =	shalt  }
.Lfunc_end1:
_tile_overlayer_lowered:
.L_overlay_start_2:
0x4f: {  	(tag) =	ssettag $0x2  }
0x50: {  	s0 =	rddreg [dreg:$0x0];
	s2 =	stileid.u32  }
0x51: {  	s1 =	rddreg [dreg:$0x1];
	p0 =	sne.s32 s2, $0x0  }
0x52: {  	s3 =	rddreg [dreg:$0x2];
	[bflag:$0x3] =	sbarrier.arrive $0xFFFF;
	s2 =	simm.s32 @!p0 $0x1C01  }
0x53: {  	[timem:s3], [sflag:s2] =	dma.local @!p0 [hbm:s0], s1  }
0x54: {  	s0 =	simm.s32 @!p0 $0x1  }
0x55: {  	_ =	swait.ge @!p0 [sflag:s0], s1  }
0x56: {  	s1 =	ssub.s32 @!p0 $0x0, s1;
	[sflag:s0] =	ssyncset.done @!p0 $0x0  }
0x57: {  	[sflag:s0] =	ssyncadd.s32 @!p0 s1  }
0x58: {  	[bflag:$0x3] =	sbarrier.arrive $0xFFFF  }
0x59: {  	_ =	shalt  }

// kernel: sparse-core-data-format-call.cloned.1.call-start
scs
called_computation_lowered:
.L_overlay_start_0:
0x0: {  	s1 =	sld [smem:$0x3FD9]  }
0x1: {  	s2 =	sld [smem:$0x3FFE];
	_ =	sdelay $0x1  }
0x2: {  	s3 =	srdreg.scid  }
0x3: {  	s0 =	sand.u32 $0x1, s3  }
0x4: {  	s17 =	sshll.u32 s0, $0xA;
	s1 =	sadd.s32 s2, s1  }
0x5: {  	s1 =	sadd.s32 s1, s17  }
0x6: {  	[smem:$0x3FC7] =	sst s1  }
0x7: {  	_ = 	snop  }
0x8: {  	(tm) =	ssettm $0x1  }
0x9: {  	s18 =	sld [smem:$0x3FFB];
	_ =	sdelay $0x3  }
0xa: {  	_ =	strace s18  }
0xb: {  	s1 =	sld [smem:$0x3FFC];
	_ =	sdelay $0x3  }
0xc: {  	_ =	strace s1  }
0xd: {  	s1 =	sld [smem:$0x3FFD];
	_ =	sdelay $0x3  }
0xe: {  	_ =	strace s1  }
0xf: {  	_ =	strace $0x8FFFFFFF  }
0x10: {  	s19 =	sld [smem:$0x3FDB];
	_ =	sdelay $0x1  }
0x11: {  	s20 =	simm.s32 $_scs_section_size  }
0x12: {  	s4 =	simm.s32 $_size__tile_overlayer_lowered;
	s5 =	simm.s32 $_tile_overlayer_lowered  }
0x13: {  	s23 =	simm.s32 $0x1BFF;
	s22 =	sshll.u32 s5, $0x1;
	s1 =	sadd.s32 s20, s19  }
0x14: {  	s6 =	simm.s32 $0x0;
	s21 =	sshll.u32 s4, $0x1;
	s4 =	sadd.s32 s22, s1  }
0x15: {  	[timem:s6], [sflag:s23] =	dma.local [hbm:s4], s21  }
0x16: {  	_ =	swait.ge [sflag:s23], s21  }
0x17: {  	s2 =	ssub.s32 $0x0, s21;
	[sflag:s23] =	ssyncset.done $0x0  }
0x18: {  	[sflag:s23] =	ssyncadd.s32 s2;
	_ =	sdelay $0x1  }
0x19: {  	s24 =	simm.s32 $0x1B8B  }
0x1a: {  	_ =	swait.ge [sflag:s24], $0x1  }
0x1b: {  	[sflag:s24] =	ssyncset.done $0x0  }
0x1c: {  	s26 =	simm.s32 $0x1B8E;
	s25 =	sld [smem:$0x3FFE];
	[sflag:s24] =	ssyncadd.s32 $0xFFFFFFFF  }
0x1d: {  	s27 =	simm.s32 $execute0_lowered;
	[smem:$0x3FD2] =	sst s26  }
0x1e: {  	s4 =	sshll.u32 s27, $0x1;
	_ =	strace $0x8000004F;
	[dreg:$0x1] =	wrdreg $0xFFFFFFFF  }
0x1f: {  	s28 =	simm.s32 $_size_execute0_lowered;
	s1 =	sadd.s32 s1, s4;
	[dreg:$0x0] =	wrdreg $0x0  }
0x20: {  	s4 =	sshll.u32 s28, $0x1;
	[dreg:$0x2] =	wrdreg s1  }
0x21: {  	[dreg:$0x3] =	wrdreg s4  }
0x22: {  	[dreg:$0x4] =	wrdreg $0xC0  }
0x23: {  	_ =	task [dreg:s6], $0x5FFFF  }
0x24: {  	[dreg:$0x1] =	wrdreg $0xFFFFFFFF  }
0x25: {  	[dreg:$0x0] =	wrdreg $0x60  }
0x26: {  	[dreg:$0x2] =	wrdreg s25  }
0x27: {  	[dreg:$0x3] =	wrdreg $0x9  }
0x28: {  	_ =	task.clear_ibuf [dreg:s6], $0x4FFFF;
	_ =	strace $0x9000004F  }
0x29: {  	s29 =	simm.s32 $0x9;
	_ =	strace $0x80000051  }
0x2a: {  	_ =	swait.ge [sflag:s29], $0x1  }
0x2b: {  	[sflag:s29] =	ssyncadd.s32 $0xFFFFFFFF  }
0x2c: {  	_ =	strace $0x90000051  }
0x2d: {  	_ =	sfence  }
0x2e: {  	s30 =	sld [smem:$0x0];
	_ =	sdelay $0x2  }
0x2f: {  	s31 =	sshll.u32 s3, $0xD;
	s3 =	sshrl.u32 s3, $0x2  }
0x30: {  	s2 =	sand.u32 $0x4000, s31;
	s1 =	sadd.s32 s3, s30  }
0x31: {  	s0 =	sor.u32 s2, s0;
	s1 =	sshll.u32 s1, $0x11  }
0x32: {  	s0 =	sor.u32 s1, s0  }
0x33: {  	s0 =	sadd.s32 $0x8F2B, s0  }
0x34: {  	[sflag:s0] =	ssyncadd.remote.s32 $0x1  }
0x35: {  	_ =	sfence.sel $0xFFFF  }
0x36: {  	[dreg:$0x0] =	wrdreg $0xFFFFFFFF;
	(pc) =	sbr.abs _section_cstart, $3  }
0x37: {  	[dreg:$0x1] =	wrdreg $0xFFFFFFFF  }
0x38: {  	_ =	task.clear_ibuf [dreg:s6], $0x2FFFF;
	_ =	strace $0x9FFFFFFF  }
0x39: {  	(tm) =	ssettm $0x7FFFFFFF  }
tec
execute0_lowered:
.L_overlay_start_1:
0x0: {  	(tag) =	ssettag $0x1  }
0x1: {  	s0 =	srdreg.scid  }
0x2: {  	s5 =	rddreg [dreg:$0x0];
	s7 =	simm.s32 $0x1;
	s1 =	sshll.u32 s0, $0x4  }
0x3: {  	s8 =	simm.s32 $0x2;
	s0 =	stileid.u32;
	s1 =	sand.u32 $0x10, s1  }
0x4: {  	s15 =	simm.s32 $0x0;
	s14 =	simm.s32 $0x0;
	s1 =	sor.u32 s0, s1  }
0x5: {  	s13 =	simm.s32 $0x0;
	s9 =	simm.s32 $0x0;
	s2 =	sshll.u32 s1, $0x7  }
0x6: {  	s10 =	simm.s32 $0x0;
	s12 =	simm.s32 $0x0;
	s6 =	ssub.s32 $0x1000, s2  }
0x7: {  	s3 =	sadd.s32 $0x1200, s5;
	s5 =	sadd.s32 $0x401200, s5;
	s4 =	sand.u32 $0xF80, s6  }
.Ltmp0:
0x8: {  	s1 =	rddreg [dreg:$0x1];
	p0 =	sne.s32 s4, $0x0;
	(pc) =	sbr.rel .LBB1_1-.Ltmp0, $4  }
0x9: {  	_ =	strace $0x80000050;
	s6 =	sshrl.u32 s6, $0xC;
	s7 =	simm.s32 @!p0 $0x0  }
0xa: {  	s11 =	smov.u32 s2;
	s4 =	simm.s32 $0x1;
	s6 =	sadd.s32 s7, s6  }
0xb: {  	[sflag:s4] =	ssyncpa.u1 $0x0;
	p0 =	por $0x0, $0x0;
	s6 =	sshll.u32 s6, $0x6  }
0xc: {  	[sflag:s8] =	ssyncpa.u1 $0x0;
	s8 =	simm.s32 $0x8000;
	s7 =	sor.u32 $0x1, s6  }
.LBB1_4:
0xd: {  	v5 =	vld [tilespmem:s18+$0xFFFFFFD0]  }
0xe: {  	[tilespmem:s19+$0x2040 ss:$0x81] =	vst.msk $0xffff, v1;
	v58 =	vld [tilespmem:s18+$0xFFFFFFE0]  }
0xf: {  	[tilespmem:s19+$0x2850 ss:$0x81] =	vst.msk $0xffff, v2;
	v59 =	vld [tilespmem:s18+$0xFFFFFFF0]  }
0x10: {  	s20 =	sshra.s32 s20, $0x2;
	[tilespmem:s19+$0x3060 ss:$0x81] =	vst.msk $0xffff, v3;
	v60 =	vld [tilespmem:s18+$0x0]  }
0x11: {  	[tilespmem:s19+$0x0 ss:$0x81] =	vst.msk $0xffff, v0;
	v61 =	vld [tilespmem:s18+$0x10];
	s17 =	sadd.s32 s20, s17  }
0x12: {  	s26 =	sshll.u32 s15, $0xC;
	v62 =	vld [tilespmem:s18+$0x20];
	[tilespmem:s17+$0x3870 ss:$0x81] =	vst.msk $0xffff, v4  }
0x13: {  	s27 =	sand.u32 $0x78, s13;
	s21 =	sshll.u32 s13, $0x3;
	v63 =	vld [tilespmem:s18+$0xFFFFFFC0];
	s29 =	sshll.u32 s15, $0x7;
	[tilespmem:s17+$0x810 ss:$0x81] =	vst.msk $0xffff, v5  }
0x14: {  	s14 =	sshll.u32 s14, $0x15;
	s19 =	sand.u32 $0xFF8000, s26;
	s28 =	sand.u32 $0xFFFC00, s21;
	[tilespmem:s17+$0x1020 ss:$0x81] =	vst.msk $0xffff, v58  }
0x15: {  	s31 =	sand.u32 $0x7, s13;
	s21 =	sand.u32 $0xC00, s21;
	s18 =	sadd.s32 s28, s19;
	[tilespmem:s17+$0x1830 ss:$0x81] =	vst.msk $0xffff, v59  }
0x16: {  	s15 =	sand.u32 $0x380, s29;
	s30 =	sor.u32 s27, s21;
	s18 =	sshrl.u32 s18, $0x3;
	[tilespmem:s17+$0x2040 ss:$0x81] =	vst.msk $0xffff, v60  }
0x17: {  	s14 =	sadd.s32 s5, s14;
	s15 =	sor.u32 s15, s30;
	s18 =	sand.u32 $0x1FFE00, s18;
	[tilespmem:s17+$0x2850 ss:$0x81] =	vst.msk $0xffff, v61  }
0x18: {  	s13 =	sshll.u32 s31, $0x12;
	s15 =	sshrl.u32 s15, $0x3;
	[tilespmem:s17+$0x3060 ss:$0x81] =	vst.msk $0xffff, v62;
	s14 =	sadd.s32 s18, s14  }
0x19: {  	s13 =	sor.u32 $0x400, s13;
	[tilespmem:s17+$0x0 ss:$0x81] =	vst.msk $0xffff, v63;
	s14 =	sadd.s32 s15, s14  }
0x1a: {  	[hbm4b:s14+s13] =	stream.strided.scatter [tilespmem:s16], [sflag:$0x2], $0x4000, s8, s13, $0x20;
	[tilespmem:$0x10100] =	vst v63  }
.LBB1_5:
0x1b: {  	s16 =	sadd.s32 $0x80, s9  }
0x1c: {  	s13 =	simm.s32 $0x1;
	p2 =	sgt.s32 s16, $0xFFF  }
0x1d: {  	s13 =	simm.s32 @!p2 $0x0  }
0x1e: {  	s17 =	sadd.s32 s13, s10  }
0x1f: {  	s19 =	smov.u32 s11;
	s13 =	sadd.s32 $0x1000, s11;
	p3 =	sgt.s32 s17, $0x1  }
0x20: {  	s19 =	smov.u32 @p3 s13  }
0x21: {  	s16 =	simm.s32 @p2 $0x0;
	p2 =	sgt.s32 s19, $0xFFF  }
0x22: {  	p1 =	slt.u32 s12, $0x2;
	s19 =	smov.u32 @p2 s2;
	p2 =	sne.s32 s12, s7  }
.Ltmp1:
0x23: {  	s18 =	simm.s32 @!p1 $0x2;
	(pc) =	sbr.rel @!p2 .LBB1_6-.Ltmp1, $4  }
0x24: {  	s15 =	smov.u32 s9;
	s14 =	smov.u32 s10;
	_ =	swait.ge @!p1 [sflag:s18], $0x4000  }
0x25: {  	p0 =	por !p0, !p0;
	[sflag:s18] =	ssyncset.done @!p1 $0x0;
	s9 =	smov.u32 s16  }
0x26: {  	[sflag:s18] =	ssyncadd.s32 @!p1 $0xFFFFC000;
	s17 =	simm.s32 @p3 $0x0;
	s13 =	smov.u32 s11  }
0x27: {  	s10 =	smov.u32 s17;
	s12 =	sadd.s32 $0x1, s12;
	s11 =	smov.u32 s19  }
.LBB1_1:
0x28: {  	p1 =	sge.u32 s12, s6  }
0x29: {  	s16 =	sshll.u32 @!p1 s10, $0x7  }
0x2a: {  	s17 =	sand.u32 @!p1 $0x78, s9;
	s18 =	sshll.u32 @!p1 s9, $0x1;
	s16 =	sand.u32 @!p1 $0x80, s16  }
0x2b: {  	s31 =	sadd.s32 $0xFFFFFFFF, s12;
	s18 =	sand.u32 @!p1 $0xF00, s18;
	s16 =	sor.u32 @!p1 s16, s17  }
0x2c: {  	s17 =	sshll.u32 @!p1 s11, $0xA;
	s16 =	sor.u32 @!p1 s18, s16;
	s18 =	sshrl.u32 @!p1 s9, $0x2  }
0x2d: {  	s19 =	sxor.u32 @!p1 $0xFFFFFFFF, s12;
	s17 =	sadd.s32 @!p1 s3, s17;
	s18 =	sand.u32 @!p1 $0x200, s18  }
0x2e: {  	s19 =	sshll.u32 @!p1 s19, $0xE;
	s17 =	sadd.s32 @!p1 s18, s17;
	s18 =	sand.u32 @!p1 $0x7, s9  }
0x2f: {  	s19 =	sand.u32 @!p1 $0x4000, s19;
	s16 =	sshrl.u32 @!p1 s16, $0x3;
	s18 =	sshll.u32 @!p1 s18, $0x12  }
0x30: {  	s16 =	sadd.s32 @!p1 s16, s17;
	s17 =	sor.u32 @!p1 $0x80, s18;
	s18 =	simm.s32 @!p1 $0x2000  }
0x31: {  	[tilespmem:s19], [sflag:$0x1] =	stream.strided.gather @!p1 [hbm4b:s16+s17], $0x4000, s18, s17, $0x38;
	[tilespmem:$0x10100] =	vst v63  }
0x32: {  	p1 =	sge.u32 s31, s6  }
.Ltmp2:
0x33: {  	_ = 	snop;
	(pc) =	sbr.rel @p1 .LBB1_5-.Ltmp2, $1  }
0x34: {  	_ =	sdelay $0x3  }
0x35: {  	s16 =	simm.s32 $0x1  }
0x36: {  	_ =	swait.ge [sflag:s4], $0x4000;
	s16 =	simm.s32 @!p0 $0x0  }
0x37: {  	[sflag:s4] =	ssyncset.done $0x0;
	s17 =	sshll.u32 s16, $0xE  }
0x38: {  	[sflag:s4] =	ssyncadd.s32 $0xFFFFC000;
	s18 =	sor.u32 $0x40, s17  }
0x39: {  	s16 =	smul.u32 $0x10200, s16;
	v0 =	vld [tilespmem:s18+$0x30]  }
0x3a: {  	v3 =	vld [tilespmem:s18+$0xFFFFFFD0]  }
0x3b: {  	s16 =	sshrl.u32 s16, $0x2;
	v4 =	vld [tilespmem:s18+$0xFFFFFFE0]  }
0x3c: {  	v5 =	vld [tilespmem:s18+$0xFFFFFFF0];
	s17 =	sor.u32 $0x8000, s16  }
0x3d: {  	s31 =	sand.u32 $0x1, s12;
	v1 =	vld [tilespmem:s18+$0x0];
	s19 =	sadd.s32 $0x0, s17  }
0x3e: {  	v2 =	vld [tilespmem:s18+$0x10];
	s16 =	smul.u32 $0x10200, s31;
	[tilespmem:s19+$0x3870 ss:$0x81] =	vst.msk $0xffff, v0  }
0x3f: {  	[tilespmem:s19+$0x810 ss:$0x81] =	vst.msk $0xffff, v3;
	v3 =	vld [tilespmem:s18+$0x20]  }
0x40: {  	s16 =	sshrl.u32 s16, $0x2;
	v0 =	vld [tilespmem:s18+$0xFFFFFFC0];
	[tilespmem:s19+$0x1020 ss:$0x81] =	vst.msk $0xffff, v4;
	s18 =	sadd.s32 $0x80, s18  }
0x41: {  	s20 =	simm.s32 $0x4;
	s21 =	simm.s32 $0x8;
	s16 =	sor.u32 $0x8000, s16;
	[tilespmem:s19+$0x1830 ss:$0x81] =	vst.msk $0xffff, v5;
	v4 =	vld [tilespmem:s18+$0x30]  }
.LBB1_3:
0x42: {  	p1 =	sne.s32 s21, $0x1FC;
	v5 =	vld [tilespmem:s18+$0xFFFFFFD0];
	[tilespmem:s19+$0x2040 ss:$0x81] =	vst.msk $0xffff, v1  }
0x43: {  	v6 =	vld [tilespmem:s18+$0xFFFFFFE0];
	[tilespmem:s19+$0x2850 ss:$0x81] =	vst.msk $0xffff, v2  }
0x44: {  	s22 =	sshra.s32 s20, $0x2;
	s20 =	smov.u32 s21;
	v7 =	vld [tilespmem:s18+$0xFFFFFFF0];
	[tilespmem:s19+$0x3060 ss:$0x81] =	vst.msk $0xffff, v3  }
.Ltmp3:
0x45: {  	v1 =	vld [tilespmem:s18+$0x0];
	[tilespmem:s19+$0x0 ss:$0x81] =	vst.msk $0xffff, v0;
	s19 =	sadd.s32 s22, s17;
	(pc) =	sbr.rel @p1 .LBB1_3-.Ltmp3, $4  }
0x46: {  	v2 =	vld [tilespmem:s18+$0x10];
	[tilespmem:s19+$0x3870 ss:$0x81] =	vst.msk $0xffff, v4  }
0x47: {  	[tilespmem:s19+$0x810 ss:$0x81] =	vst.msk $0xffff, v5;
	v3 =	vld [tilespmem:s18+$0x20]  }
0x48: {  	v0 =	vld [tilespmem:s18+$0xFFFFFFC0];
	[tilespmem:s19+$0x1020 ss:$0x81] =	vst.msk $0xffff, v6;
	s18 =	sadd.s32 $0x80, s18  }
0x49: {  	s21 =	sadd.s32 $0x4, s21;
	v4 =	vld [tilespmem:s18+$0x30];
	[tilespmem:s19+$0x1830 ss:$0x81] =	vst.msk $0xffff, v7  }
.Ltmp4:
0x4a: {  	_ = 	snop;
	(pc) =	sbr.rel .LBB1_4-.Ltmp4, $1  }
0x4b: {  	_ =	sdelay $0x3  }
.LBB1_6:
0x4c: {  	_ =	sfence.sel $0x180000  }
0x4d: {  	s2 =	simm.s32 $0x1;
	[bflag:$0x0] =	sbarrier.arrive $0xFFFF  }
0x4e: {  	s31 =	simm.s32 $0x2;
	[sflag:s2] =	ssyncpa.u1 $0x1  }
0x4f: {  	[sflag:s31] =	ssyncpa.u1 $0x1  }
0x50: {  	p0 =	sne.s32 s0, $0x0;
	_ =	strace $0x90000050  }
0x51: {  	s0 =	sadd.s32 @!p0 $0x100000, s1;
	[bflag:$0x2] =	sbarrier.arrive $0xFFFF  }
0x52: {  	[sflag:s0] =	ssyncadd.tile.s32 @!p0 $0x1;
	_ =	shalt  }
.Lfunc_end1:
_tile_overlayer_lowered:
.L_overlay_start_2:
0x53: {  	(tag) =	ssettag $0x2  }
0x54: {  	s0 =	rddreg [dreg:$0x0];
	s2 =	stileid.u32  }
0x55: {  	s1 =	rddreg [dreg:$0x1];
	p0 =	sne.s32 s2, $0x0  }
0x56: {  	s3 =	rddreg [dreg:$0x2];
	[bflag:$0x3] =	sbarrier.arrive $0xFFFF;
	s2 =	simm.s32 @!p0 $0x1C01  }
0x57: {  	[timem:s3], [sflag:s2] =	dma.local @!p0 [hbm:s0], s1  }
0x58: {  	s0 =	simm.s32 @!p0 $0x1  }
0x59: {  	_ =	swait.ge @!p0 [sflag:s0], s1  }
0x5a: {  	s1 =	ssub.s32 @!p0 $0x0, s1;
	[sflag:s0] =	ssyncset.done @!p0 $0x0  }
0x5b: {  	[sflag:s0] =	ssyncadd.s32 @!p0 s1  }
0x5c: {  	[bflag:$0x3] =	sbarrier.arrive $0xFFFF  }
0x5d: {  	_ =	shalt  }

</sc_bundles>
